<compile_context>
chip_gen: v7x
topology: tpu7x:2x2x1
jax: 0.10.2.dev20260603
libtpu: 0.0.44.dev20260713+nightly
codegen_flags: <defaults>
</compile_context>

<pallas_src>
import functools

import jax
import jax.numpy as jnp
from jax import lax
from jax.experimental import pallas as pl
from jax.experimental.pallas import tpu as pltpu
from jax.experimental.pallas import tpu_sc as plsc

B, G, D = 16, 20000, 128
S, L = 8, 64
SET_STRIDE = 100
LANES = 16
DH = D // 4
NCH = DH // LANES
NUM_CORES = 2
NUM_SUBCORES = 16
NW = NUM_CORES * NUM_SUBCORES
BP = 16
UNROLL = 8


def _agg_body(gene_hbm, attn_hbm, out_hbm, attn_v, gene_v, out_v,
              sem_a, sem_g, sem_o):
    cid = lax.axis_index("c")
    sid = lax.axis_index("s")
    wid = sid * NUM_CORES + cid
    set_id = wid % S
    quarter = wid // S
    b_base = 0
    col0 = quarter * DH

    row0 = set_id * SET_STRIDE
    cp_a = pltpu.async_copy(attn_hbm.at[set_id, :, pl.ds(col0, DH)],
                            attn_v, sem_a)
    cp_g = pltpu.async_copy(
        gene_hbm.at[pl.ds(b_base, BP), pl.ds(row0, L), pl.ds(col0, DH)],
        gene_v, sem_g)
    cp_a.wait()
    cp_g.wait()

    def acc_chunk(c, _):
        o = c * LANES

        def l_body(lu, carry):
            d = carry[0]
            a = list(carry[1:])
            for u in range(UNROLL):
                l = lu * UNROLL + u
                e = jnp.exp(attn_v[l, pl.ds(o, LANES)])
                d = d + e
                for b in range(BP):
                    a[b] = a[b] + e * gene_v[b, l, pl.ds(o, LANES)]
            return (d, *a)

        z = jnp.zeros((LANES,), jnp.float32)
        carry = lax.fori_loop(0, L // UNROLL, l_body, (z,) * (BP + 1))
        r = 1.0 / carry[0]
        for b in range(BP):
            out_v[b, pl.ds(o, LANES)] = carry[1 + b] * r
        return 0

    lax.fori_loop(0, NCH, acc_chunk, 0)

    pltpu.async_copy(out_v,
                     out_hbm.at[pl.ds(b_base, BP), set_id, pl.ds(col0, DH)],
                     sem_o).wait()


@functools.lru_cache(maxsize=None)
def _build_agg():
    return pl.kernel(
        _agg_body,
        out_type=jax.ShapeDtypeStruct((B, S, D), jnp.float32),
        mesh=plsc.VectorSubcoreMesh(core_axis_name="c", subcore_axis_name="s",
                                    num_cores=NUM_CORES,
                                    num_subcores=NUM_SUBCORES),
        scratch_types=[
            pltpu.VMEM((L, DH), jnp.float32),
            pltpu.VMEM((BP, L, DH), jnp.float32),
            pltpu.VMEM((BP, DH), jnp.float32),
            pltpu.SemaphoreType.DMA,
            pltpu.SemaphoreType.DMA,
            pltpu.SemaphoreType.DMA,
        ],
        compiler_params=pltpu.CompilerParams(use_tc_tiling_on_sc=False,
                                             skip_device_barrier=True),
    )


def kernel(gene_features, attn_weights):
    return _build_agg()(gene_features, attn_weights)

# --- scband reference (transcript-rebuilt; emitter-appended) ---
"""Pipeline reference for scband-gene-set-aggregator-86268713107697 (READ-ONLY COPY).

The authoritative reference and input builder live on the scoring server;
editing this copy changes nothing except your own understanding.
"""

import jax, jax.numpy as jnp
import numpy as np

# 8 gene sets, each with 64 member genes (contiguous index blocks starting at k*100)
_starts = np.arange(8) * 100
GENESET_INDICES = jnp.asarray(np.stack([np.arange(s, s + 64) for s in _starts]).astype(np.int64))  # [8, 64]


def setup_inputs(seed: int = 0) -> dict:
    key = jax.random.key(seed)
    k1, k2 = jax.random.split(key)
    gene_features = jax.random.normal(k1, (16, 20000, 128), dtype=jnp.float32)
    # learned per-geneset attention weights: one [set_len, feature_dim] param per set, stacked
    attn_weights = jax.random.normal(k2, (8, 64, 128), dtype=jnp.float32)
    return {"gene_features": gene_features, "attn_weights": attn_weights}


def reference(gene_features, attn_weights):
    # gather each gene set's member genes: [B, S, L, d]
    gathered = jnp.take(gene_features, GENESET_INDICES, axis=1)
    # torch: softmax over dim=1 of the batch-expanded [B, L, d] weights -> softmax over set-member axis
    attn = jax.nn.softmax(attn_weights, axis=1)  # [S, L, d]
    weighted = gathered * attn[None, :, :, :]  # [B, S, L, d]
    out = jnp.sum(weighted, axis=2)  # [B, S, d] == torch.stack of per-set sums over dim=1
    return out

if __name__ == "__main__":
    import jax
    _d = setup_inputs()
    print(jax.jit(kernel)(*tuple(_d.values())))

</pallas_src>

<mosaic_0001>
#map = affine_map<(d0, d1) -> (0, 0, 0)>
module attributes {stable_mosaic.version = 14 : i64} {
  func.func @_agg_body(%arg0: i32, %arg1: i32, %arg2: memref<16x20000x128xf32, #tpu.memory_space<hbm>>, %arg3: memref<8x64x128xf32, #tpu.memory_space<hbm>>, %arg4: memref<16x8x128xf32, #tpu.memory_space<hbm>>, %arg5: memref<64x32xf32, #tpu.memory_space<vmem>>, %arg6: memref<16x64x32xf32, #tpu.memory_space<vmem>>, %arg7: memref<16x32xf32, #tpu.memory_space<vmem>>, %arg8: memref<!tpu.dma_semaphore, #tpu.memory_space<semaphore_mem>>, %arg9: memref<!tpu.dma_semaphore, #tpu.memory_space<semaphore_mem>>, %arg10: memref<!tpu.dma_semaphore, #tpu.memory_space<semaphore_mem>>) attributes {dimension_semantics = [#tpu.dimension_semantics<core_parallel>, #tpu.dimension_semantics<subcore_parallel>], iteration_bounds = array<i64: 2, 16>, scalar_prefetch = 0 : i64, scratch_operands = 6 : i64, tpu.core_type = #tpu.core_type<sc_vector_subcore>, window_params = [{transform_indices = #map}, {transform_indices = #map}, {transform_indices = #map}]} {
    %mul3A = arith.constant 2 : i32
    %mul3A_0 = arith.muli %arg1, %mul3A : i32
    %add3A = arith.addi %mul3A_0, %arg0 : i32
    %jit3A = arith.constant 8 : i32
    %eq3A = arith.constant 0 : i32
    %eq3A_1 = arith.cmpi eq, %jit3A, %eq3A : i32
    %jit3A_2 = arith.constant 1 : i32
    %select_n3A = arith.select %eq3A_1, %jit3A_2, %jit3A : i32
    %rem3A = arith.remsi %add3A, %select_n3A : i32
    %ne3A = arith.constant 0 : i32
    %ne3A_3 = arith.cmpi ne, %rem3A, %ne3A : i32
    %lt3A = arith.constant 0 : i32
    %lt3A_4 = arith.cmpi slt, %rem3A, %lt3A : i32
    %lt3A_5 = arith.constant 0 : i32
    %lt3A_6 = arith.cmpi slt, %select_n3A, %lt3A_5 : i32
    %ne3A_7 = arith.xori %lt3A_4, %lt3A_6 : i1
    %and3A = arith.andi %ne3A_7, %ne3A_3 : i1
    %add3A_8 = arith.addi %rem3A, %select_n3A : i32
    %select_n3A_9 = arith.select %and3A, %add3A_8, %rem3A : i32
    %jit3A_10 = arith.constant 8 : i32
    %div3A = arith.divsi %add3A, %jit3A_10 : i32
    %sign3A = arith.constant 0 : i32
    %sign3A_11 = arith.cmpi sgt, %add3A, %sign3A : i32
    %sign3A_12 = arith.extui %sign3A_11 : i1 to i32
    %sign3A_13 = arith.constant 0 : i32
    %sign3A_14 = arith.cmpi slt, %add3A, %sign3A_13 : i32
    %sign3A_15 = arith.extui %sign3A_14 : i1 to i32
    %sign3A_16 = arith.subi %sign3A_12, %sign3A_15 : i32
    %sign3A_17 = arith.constant 0 : i32
    %sign3A_18 = arith.cmpi sgt, %jit3A_10, %sign3A_17 : i32
    %sign3A_19 = arith.extui %sign3A_18 : i1 to i32
    %sign3A_20 = arith.constant 0 : i32
    %sign3A_21 = arith.cmpi slt, %jit3A_10, %sign3A_20 : i32
    %sign3A_22 = arith.extui %sign3A_21 : i1 to i32
    %sign3A_23 = arith.subi %sign3A_19, %sign3A_22 : i32
    %ne3A_24 = arith.cmpi ne, %sign3A_16, %sign3A_23 : i32
    %rem3A_25 = arith.remsi %add3A, %jit3A_10 : i32
    %ne3A_26 = arith.constant 0 : i32
    %ne3A_27 = arith.cmpi ne, %rem3A_25, %ne3A_26 : i32
    %and3A_28 = arith.andi %ne3A_24, %ne3A_27 : i1
    %sub3A = arith.constant 1 : i32
    %sub3A_29 = arith.subi %div3A, %sub3A : i32
    %select_n3A_30 = arith.select %and3A_28, %sub3A_29, %div3A : i32
    %mul3A_31 = arith.constant 32 : i32
    %mul3A_32 = arith.muli %select_n3A_30, %mul3A_31 : i32
    %mul3A_33 = arith.constant 100 : i32
    %mul3A_34 = arith.muli %select_n3A_9, %mul3A_33 : i32
    %dma_start3A = arith.constant 0 : i32
    %dma_start3A_35 = tpu.memref_slice %arg3[%select_n3A_9, %dma_start3A, %mul3A_32] : memref<8x64x128xf32, #tpu.memory_space<hbm>> -> memref<1x64x32xf32, #tpu.memory_space<hbm>>
    %dma_start3A_36 = tpu.memref_squeeze %dma_start3A_35 : memref<1x64x32xf32, #tpu.memory_space<hbm>> -> memref<64x32xf32, #tpu.memory_space<hbm>>
    %dma_start3A_37 = arith.constant 0 : i32
    %dma_start3A_38 = tpu.memref_slice %arg3[%select_n3A_9, %dma_start3A_37, %mul3A_32] : memref<8x64x128xf32, #tpu.memory_space<hbm>> -> memref<1x64x32xf32, #tpu.memory_space<hbm>>
    %dma_start3A_39 = tpu.memref_squeeze %dma_start3A_38 : memref<1x64x32xf32, #tpu.memory_space<hbm>> -> memref<64x32xf32, #tpu.memory_space<hbm>>
    tpu.enqueue_dma source(%dma_start3A_39 : memref<64x32xf32, #tpu.memory_space<hbm>>) target(%arg5 : memref<64x32xf32, #tpu.memory_space<vmem>>) target_semaphore(%arg8 : memref<!tpu.dma_semaphore, #tpu.memory_space<semaphore_mem>>)
    %dma_start3A_40 = arith.constant 0 : i32
    %dma_start3A_41 = tpu.memref_slice %arg2[%dma_start3A_40, %mul3A_34, %mul3A_32] : memref<16x20000x128xf32, #tpu.memory_space<hbm>> -> memref<16x64x32xf32, #tpu.memory_space<hbm>>
    %dma_start3A_42 = arith.constant 0 : i32
    %dma_start3A_43 = tpu.memref_slice %arg2[%dma_start3A_42, %mul3A_34, %mul3A_32] : memref<16x20000x128xf32, #tpu.memory_space<hbm>> -> memref<16x64x32xf32, #tpu.memory_space<hbm>>
    tpu.enqueue_dma source(%dma_start3A_43 : memref<16x64x32xf32, #tpu.memory_space<hbm>>) target(%arg6 : memref<16x64x32xf32, #tpu.memory_space<vmem>>) target_semaphore(%arg9 : memref<!tpu.dma_semaphore, #tpu.memory_space<semaphore_mem>>)
    %dma_wait3A = arith.constant 0 : i32
    %dma_wait3A_44 = tpu.memref_slice %arg3[%select_n3A_9, %dma_wait3A, %mul3A_32] : memref<8x64x128xf32, #tpu.memory_space<hbm>> -> memref<1x64x32xf32, #tpu.memory_space<hbm>>
    %dma_wait3A_45 = tpu.memref_squeeze %dma_wait3A_44 : memref<1x64x32xf32, #tpu.memory_space<hbm>> -> memref<64x32xf32, #tpu.memory_space<hbm>>
    %dma_wait3A_46 = arith.constant 0 : i32
    %dma_wait3A_47 = tpu.memref_slice %arg3[%select_n3A_9, %dma_wait3A_46, %mul3A_32] : memref<8x64x128xf32, #tpu.memory_space<hbm>> -> memref<1x64x32xf32, #tpu.memory_space<hbm>>
    %dma_wait3A_48 = tpu.memref_squeeze %dma_wait3A_47 : memref<1x64x32xf32, #tpu.memory_space<hbm>> -> memref<64x32xf32, #tpu.memory_space<hbm>>
    tpu.wait_dma2 semaphore(%arg8 : memref<!tpu.dma_semaphore, #tpu.memory_space<semaphore_mem>>) src(%dma_wait3A_48 : memref<64x32xf32, #tpu.memory_space<hbm>>) dst(%arg5 : memref<64x32xf32, #tpu.memory_space<vmem>>)
    %dma_wait3A_49 = arith.constant 0 : i32
    %dma_wait3A_50 = tpu.memref_slice %arg2[%dma_wait3A_49, %mul3A_34, %mul3A_32] : memref<16x20000x128xf32, #tpu.memory_space<hbm>> -> memref<16x64x32xf32, #tpu.memory_space<hbm>>
    %dma_wait3A_51 = arith.constant 0 : i32
    %dma_wait3A_52 = tpu.memref_slice %arg2[%dma_wait3A_51, %mul3A_34, %mul3A_32] : memref<16x20000x128xf32, #tpu.memory_space<hbm>> -> memref<16x64x32xf32, #tpu.memory_space<hbm>>
    tpu.wait_dma2 semaphore(%arg9 : memref<!tpu.dma_semaphore, #tpu.memory_space<semaphore_mem>>) src(%dma_wait3A_52 : memref<16x64x32xf32, #tpu.memory_space<hbm>>) dst(%arg6 : memref<16x64x32xf32, #tpu.memory_space<vmem>>)
    %scan3A = arith.constant 0 : i32
    %scan3A_53 = arith.constant 0 : i32
    %scan3A_54 = arith.constant 2 : i32
    %scan3A_55 = arith.addi %scan3A_53, %scan3A_54 : i32
    %scan3A_56 = arith.constant 1 : i32
    %scan3A_57 = scf.for %scan3A_71 = %scan3A_53 to %scan3A_55 step %scan3A_56 iter_args(%scan3A_72 = %scan3A) -> (i32)  : i32 {
      %mul3A_73 = arith.constant 16 : i32
      %mul3A_74 = arith.muli %scan3A_71, %mul3A_73 : i32
      %broadcast_in_dim3A = arith.constant 0.000000e+00 : f32
      %broadcast_in_dim3A_75 = vector.broadcast %broadcast_in_dim3A : f32 to vector<16xf32>
      %scan3A_76 = arith.constant 0 : i32
      %scan3A_77 = arith.constant 8 : i32
      %scan3A_78 = arith.addi %scan3A_76, %scan3A_77 : i32
      %scan3A_79 = arith.constant 1 : i32
      %scan3A_80:17 = scf.for %scan3A_197 = %scan3A_76 to %scan3A_78 step %scan3A_79 iter_args(%scan3A_198 = %broadcast_in_dim3A_75, %scan3A_199 = %broadcast_in_dim3A_75, %scan3A_200 = %broadcast_in_dim3A_75, %scan3A_201 = %broadcast_in_dim3A_75, %scan3A_202 = %broadcast_in_dim3A_75, %scan3A_203 = %broadcast_in_dim3A_75, %scan3A_204 = %broadcast_in_dim3A_75, %scan3A_205 = %broadcast_in_dim3A_75, %scan3A_206 = %broadcast_in_dim3A_75, %scan3A_207 = %broadcast_in_dim3A_75, %scan3A_208 = %broadcast_in_dim3A_75, %scan3A_209 = %broadcast_in_dim3A_75, %scan3A_210 = %broadcast_in_dim3A_75, %scan3A_211 = %broadcast_in_dim3A_75, %scan3A_212 = %broadcast_in_dim3A_75, %scan3A_213 = %broadcast_in_dim3A_75, %scan3A_214 = %broadcast_in_dim3A_75) -> (vector<16xf32>, vector<16xf32>, vector<16xf32>, vector<16xf32>, vector<16xf32>, vector<16xf32>, vector<16xf32>, vector<16xf32>, vector<16xf32>, vector<16xf32>, vector<16xf32>, vector<16xf32>, vector<16xf32>, vector<16xf32>, vector<16xf32>, vector<16xf32>, vector<16xf32>)  : i32 {
        %mul3A_215 = arith.constant 8 : i32
        %mul3A_216 = arith.muli %scan3A_197, %mul3A_215 : i32
        %add3A_217 = arith.constant 0 : i32
        %add3A_218 = arith.addi %mul3A_216, %add3A_217 : i32
        %get3A = arith.index_cast %add3A_218 : i32 to index
        %get3A_219 = arith.index_cast %mul3A_74 : i32 to index
        %get3A_220 = tpu.vector_load %arg5[%get3A, %get3A_219] {strides = array<i32>} : memref<64x32xf32, #tpu.memory_space<vmem>>, vector<1x16xf32>,
        %get3A_221 = vector.shape_cast %get3A_220 : vector<1x16xf32> to vector<16xf32>
        %exp3A = math.exp %get3A_221 : vector<16xf32>
        %add3A_222 = arith.addf %scan3A_198, %exp3A : vector<16xf32>
        %get3A_223 = arith.constant 0 : i32
        %get3A_224 = arith.index_cast %get3A_223 : i32 to index
        %get3A_225 = arith.index_cast %add3A_218 : i32 to index
        %get3A_226 = arith.index_cast %mul3A_74 : i32 to index
        %get3A_227 = tpu.vector_load %arg6[%get3A_224, %get3A_225, %get3A_226] {strides = array<i32>} : memref<16x64x32xf32, #tpu.memory_space<vmem>>, vector<1x1x16xf32>,
        %get3A_228 = vector.shape_cast %get3A_227 : vector<1x1x16xf32> to vector<16xf32>
        %mul3A_229 = arith.mulf %exp3A, %get3A_228 : vector<16xf32>
        %add3A_230 = arith.addf %scan3A_199, %mul3A_229 : vector<16xf32>
        %get3A_231 = arith.constant 1 : i32
        %get3A_232 = arith.index_cast %get3A_231 : i32 to index
        %get3A_233 = arith.index_cast %add3A_218 : i32 to index
        %get3A_234 = arith.index_cast %mul3A_74 : i32 to index
        %get3A_235 = tpu.vector_load %arg6[%get3A_232, %get3A_233, %get3A_234] {strides = array<i32>} : memref<16x64x32xf32, #tpu.memory_space<vmem>>, vector<1x1x16xf32>,
        %get3A_236 = vector.shape_cast %get3A_235 : vector<1x1x16xf32> to vector<16xf32>
        %mul3A_237 = arith.mulf %exp3A, %get3A_236 : vector<16xf32>
        %add3A_238 = arith.addf %scan3A_200, %mul3A_237 : vector<16xf32>
        %get3A_239 = arith.constant 2 : i32
        %get3A_240 = arith.index_cast %get3A_239 : i32 to index
        %get3A_241 = arith.index_cast %add3A_218 : i32 to index
        %get3A_242 = arith.index_cast %mul3A_74 : i32 to index
        %get3A_243 = tpu.vector_load %arg6[%get3A_240, %get3A_241, %get3A_242] {strides = array<i32>} : memref<16x64x32xf32, #tpu.memory_space<vmem>>, vector<1x1x16xf32>,
        %get3A_244 = vector.shape_cast %get3A_243 : vector<1x1x16xf32> to vector<16xf32>
        %mul3A_245 = arith.mulf %exp3A, %get3A_244 : vector<16xf32>
        %add3A_246 = arith.addf %scan3A_201, %mul3A_245 : vector<16xf32>
        %get3A_247 = arith.constant 3 : i32
        %get3A_248 = arith.index_cast %get3A_247 : i32 to index
        %get3A_249 = arith.index_cast %add3A_218 : i32 to index
        %get3A_250 = arith.index_cast %mul3A_74 : i32 to index
        %get3A_251 = tpu.vector_load %arg6[%get3A_248, %get3A_249, %get3A_250] {strides = array<i32>} : memref<16x64x32xf32, #tpu.memory_space<vmem>>, vector<1x1x16xf32>,
        %get3A_252 = vector.shape_cast %get3A_251 : vector<1x1x16xf32> to vector<16xf32>
        %mul3A_253 = arith.mulf %exp3A, %get3A_252 : vector<16xf32>
        %add3A_254 = arith.addf %scan3A_202, %mul3A_253 : vector<16xf32>
        %get3A_255 = arith.constant 4 : i32
        %get3A_256 = arith.index_cast %get3A_255 : i32 to index
        %get3A_257 = arith.index_cast %add3A_218 : i32 to index
        %get3A_258 = arith.index_cast %mul3A_74 : i32 to index
        %get3A_259 = tpu.vector_load %arg6[%get3A_256, %get3A_257, %get3A_258] {strides = array<i32>} : memref<16x64x32xf32, #tpu.memory_space<vmem>>, vector<1x1x16xf32>,
        %get3A_260 = vector.shape_cast %get3A_259 : vector<1x1x16xf32> to vector<16xf32>
        %mul3A_261 = arith.mulf %exp3A, %get3A_260 : vector<16xf32>
        %add3A_262 = arith.addf %scan3A_203, %mul3A_261 : vector<16xf32>
        %get3A_263 = arith.constant 5 : i32
        %get3A_264 = arith.index_cast %get3A_263 : i32 to index
        %get3A_265 = arith.index_cast %add3A_218 : i32 to index
        %get3A_266 = arith.index_cast %mul3A_74 : i32 to index
        %get3A_267 = tpu.vector_load %arg6[%get3A_264, %get3A_265, %get3A_266] {strides = array<i32>} : memref<16x64x32xf32, #tpu.memory_space<vmem>>, vector<1x1x16xf32>,
        %get3A_268 = vector.shape_cast %get3A_267 : vector<1x1x16xf32> to vector<16xf32>
        %mul3A_269 = arith.mulf %exp3A, %get3A_268 : vector<16xf32>
        %add3A_270 = arith.addf %scan3A_204, %mul3A_269 : vector<16xf32>
        %get3A_271 = arith.constant 6 : i32
        %get3A_272 = arith.index_cast %get3A_271 : i32 to index
        %get3A_273 = arith.index_cast %add3A_218 : i32 to index
        %get3A_274 = arith.index_cast %mul3A_74 : i32 to index
        %get3A_275 = tpu.vector_load %arg6[%get3A_272, %get3A_273, %get3A_274] {strides = array<i32>} : memref<16x64x32xf32, #tpu.memory_space<vmem>>, vector<1x1x16xf32>,
        %get3A_276 = vector.shape_cast %get3A_275 : vector<1x1x16xf32> to vector<16xf32>
        %mul3A_277 = arith.mulf %exp3A, %get3A_276 : vector<16xf32>
        %add3A_278 = arith.addf %scan3A_205, %mul3A_277 : vector<16xf32>
        %get3A_279 = arith.constant 7 : i32
        %get3A_280 = arith.index_cast %get3A_279 : i32 to index
        %get3A_281 = arith.index_cast %add3A_218 : i32 to index
        %get3A_282 = arith.index_cast %mul3A_74 : i32 to index
        %get3A_283 = tpu.vector_load %arg6[%get3A_280, %get3A_281, %get3A_282] {strides = array<i32>} : memref<16x64x32xf32, #tpu.memory_space<vmem>>, vector<1x1x16xf32>,
        %get3A_284 = vector.shape_cast %get3A_283 : vector<1x1x16xf32> to vector<16xf32>
        %mul3A_285 = arith.mulf %exp3A, %get3A_284 : vector<16xf32>
        %add3A_286 = arith.addf %scan3A_206, %mul3A_285 : vector<16xf32>
        %get3A_287 = arith.constant 8 : i32
        %get3A_288 = arith.index_cast %get3A_287 : i32 to index
        %get3A_289 = arith.index_cast %add3A_218 : i32 to index
        %get3A_290 = arith.index_cast %mul3A_74 : i32 to index
        %get3A_291 = tpu.vector_load %arg6[%get3A_288, %get3A_289, %get3A_290] {strides = array<i32>} : memref<16x64x32xf32, #tpu.memory_space<vmem>>, vector<1x1x16xf32>,
        %get3A_292 = vector.shape_cast %get3A_291 : vector<1x1x16xf32> to vector<16xf32>
        %mul3A_293 = arith.mulf %exp3A, %get3A_292 : vector<16xf32>
        %add3A_294 = arith.addf %scan3A_207, %mul3A_293 : vector<16xf32>
        %get3A_295 = arith.constant 9 : i32
        %get3A_296 = arith.index_cast %get3A_295 : i32 to index
        %get3A_297 = arith.index_cast %add3A_218 : i32 to index
        %get3A_298 = arith.index_cast %mul3A_74 : i32 to index
        %get3A_299 = tpu.vector_load %arg6[%get3A_296, %get3A_297, %get3A_298] {strides = array<i32>} : memref<16x64x32xf32, #tpu.memory_space<vmem>>, vector<1x1x16xf32>,
        %get3A_300 = vector.shape_cast %get3A_299 : vector<1x1x16xf32> to vector<16xf32>
        %mul3A_301 = arith.mulf %exp3A, %get3A_300 : vector<16xf32>
        %add3A_302 = arith.addf %scan3A_208, %mul3A_301 : vector<16xf32>
        %get3A_303 = arith.constant 10 : i32
        %get3A_304 = arith.index_cast %get3A_303 : i32 to index
        %get3A_305 = arith.index_cast %add3A_218 : i32 to index
        %get3A_306 = arith.index_cast %mul3A_74 : i32 to index
        %get3A_307 = tpu.vector_load %arg6[%get3A_304, %get3A_305, %get3A_306] {strides = array<i32>} : memref<16x64x32xf32, #tpu.memory_space<vmem>>, vector<1x1x16xf32>,
        %get3A_308 = vector.shape_cast %get3A_307 : vector<1x1x16xf32> to vector<16xf32>
        %mul3A_309 = arith.mulf %exp3A, %get3A_308 : vector<16xf32>
        %add3A_310 = arith.addf %scan3A_209, %mul3A_309 : vector<16xf32>
        %get3A_311 = arith.constant 11 : i32
        %get3A_312 = arith.index_cast %get3A_311 : i32 to index
        %get3A_313 = arith.index_cast %add3A_218 : i32 to index
        %get3A_314 = arith.index_cast %mul3A_74 : i32 to index
        %get3A_315 = tpu.vector_load %arg6[%get3A_312, %get3A_313, %get3A_314] {strides = array<i32>} : memref<16x64x32xf32, #tpu.memory_space<vmem>>, vector<1x1x16xf32>,
        %get3A_316 = vector.shape_cast %get3A_315 : vector<1x1x16xf32> to vector<16xf32>
        %mul3A_317 = arith.mulf %exp3A, %get3A_316 : vector<16xf32>
        %add3A_318 = arith.addf %scan3A_210, %mul3A_317 : vector<16xf32>
        %get3A_319 = arith.constant 12 : i32
        %get3A_320 = arith.index_cast %get3A_319 : i32 to index
        %get3A_321 = arith.index_cast %add3A_218 : i32 to index
        %get3A_322 = arith.index_cast %mul3A_74 : i32 to index
        %get3A_323 = tpu.vector_load %arg6[%get3A_320, %get3A_321, %get3A_322] {strides = array<i32>} : memref<16x64x32xf32, #tpu.memory_space<vmem>>, vector<1x1x16xf32>,
        %get3A_324 = vector.shape_cast %get3A_323 : vector<1x1x16xf32> to vector<16xf32>
        %mul3A_325 = arith.mulf %exp3A, %get3A_324 : vector<16xf32>
        %add3A_326 = arith.addf %scan3A_211, %mul3A_325 : vector<16xf32>
        %get3A_327 = arith.constant 13 : i32
        %get3A_328 = arith.index_cast %get3A_327 : i32 to index
        %get3A_329 = arith.index_cast %add3A_218 : i32 to index
        %get3A_330 = arith.index_cast %mul3A_74 : i32 to index
        %get3A_331 = tpu.vector_load %arg6[%get3A_328, %get3A_329, %get3A_330] {strides = array<i32>} : memref<16x64x32xf32, #tpu.memory_space<vmem>>, vector<1x1x16xf32>,
        %get3A_332 = vector.shape_cast %get3A_331 : vector<1x1x16xf32> to vector<16xf32>
        %mul3A_333 = arith.mulf %exp3A, %get3A_332 : vector<16xf32>
        %add3A_334 = arith.addf %scan3A_212, %mul3A_333 : vector<16xf32>
        %get3A_335 = arith.constant 14 : i32
        %get3A_336 = arith.index_cast %get3A_335 : i32 to index
        %get3A_337 = arith.index_cast %add3A_218 : i32 to index
        %get3A_338 = arith.index_cast %mul3A_74 : i32 to index
        %get3A_339 = tpu.vector_load %arg6[%get3A_336, %get3A_337, %get3A_338] {strides = array<i32>} : memref<16x64x32xf32, #tpu.memory_space<vmem>>, vector<1x1x16xf32>,
        %get3A_340 = vector.shape_cast %get3A_339 : vector<1x1x16xf32> to vector<16xf32>
        %mul3A_341 = arith.mulf %exp3A, %get3A_340 : vector<16xf32>
        %add3A_342 = arith.addf %scan3A_213, %mul3A_341 : vector<16xf32>
        %get3A_343 = arith.constant 15 : i32
        %get3A_344 = arith.index_cast %get3A_343 : i32 to index
        %get3A_345 = arith.index_cast %add3A_218 : i32 to index
        %get3A_346 = arith.index_cast %mul3A_74 : i32 to index
        %get3A_347 = tpu.vector_load %arg6[%get3A_344, %get3A_345, %get3A_346] {strides = array<i32>} : memref<16x64x32xf32, #tpu.memory_space<vmem>>, vector<1x1x16xf32>,
        %get3A_348 = vector.shape_cast %get3A_347 : vector<1x1x16xf32> to vector<16xf32>
        %mul3A_349 = arith.mulf %exp3A, %get3A_348 : vector<16xf32>
        %add3A_350 = arith.addf %scan3A_214, %mul3A_349 : vector<16xf32>
        %mul3A_351 = arith.constant 8 : i32
        %mul3A_352 = arith.muli %scan3A_197, %mul3A_351 : i32
        %add3A_353 = arith.constant 1 : i32
        %add3A_354 = arith.addi %mul3A_352, %add3A_353 : i32
        %get3A_355 = arith.index_cast %add3A_354 : i32 to index
        %get3A_356 = arith.index_cast %mul3A_74 : i32 to index
        %get3A_357 = tpu.vector_load %arg5[%get3A_355, %get3A_356] {strides = array<i32>} : memref<64x32xf32, #tpu.memory_space<vmem>>, vector<1x16xf32>,
        %get3A_358 = vector.shape_cast %get3A_357 : vector<1x16xf32> to vector<16xf32>
        %exp3A_359 = math.exp %get3A_358 : vector<16xf32>
        %add3A_360 = arith.addf %add3A_222, %exp3A_359 : vector<16xf32>
        %get3A_361 = arith.constant 0 : i32
        %get3A_362 = arith.index_cast %get3A_361 : i32 to index
        %get3A_363 = arith.index_cast %add3A_354 : i32 to index
        %get3A_364 = arith.index_cast %mul3A_74 : i32 to index
        %get3A_365 = tpu.vector_load %arg6[%get3A_362, %get3A_363, %get3A_364] {strides = array<i32>} : memref<16x64x32xf32, #tpu.memory_space<vmem>>, vector<1x1x16xf32>,
        %get3A_366 = vector.shape_cast %get3A_365 : vector<1x1x16xf32> to vector<16xf32>
        %mul3A_367 = arith.mulf %exp3A_359, %get3A_366 : vector<16xf32>
        %add3A_368 = arith.addf %add3A_230, %mul3A_367 : vector<16xf32>
        %get3A_369 = arith.constant 1 : i32
        %get3A_370 = arith.index_cast %get3A_369 : i32 to index
        %get3A_371 = arith.index_cast %add3A_354 : i32 to index
        %get3A_372 = arith.index_cast %mul3A_74 : i32 to index
        %get3A_373 = tpu.vector_load %arg6[%get3A_370, %get3A_371, %get3A_372] {strides = array<i32>} : memref<16x64x32xf32, #tpu.memory_space<vmem>>, vector<1x1x16xf32>,
        %get3A_374 = vector.shape_cast %get3A_373 : vector<1x1x16xf32> to vector<16xf32>
        %mul3A_375 = arith.mulf %exp3A_359, %get3A_374 : vector<16xf32>
        %add3A_376 = arith.addf %add3A_238, %mul3A_375 : vector<16xf32>
        %get3A_377 = arith.constant 2 : i32
        %get3A_378 = arith.index_cast %get3A_377 : i32 to index
        %get3A_379 = arith.index_cast %add3A_354 : i32 to index
        %get3A_380 = arith.index_cast %mul3A_74 : i32 to index
        %get3A_381 = tpu.vector_load %arg6[%get3A_378, %get3A_379, %get3A_380] {strides = array<i32>} : memref<16x64x32xf32, #tpu.memory_space<vmem>>, vector<1x1x16xf32>,
        %get3A_382 = vector.shape_cast %get3A_381 : vector<1x1x16xf32> to vector<16xf32>
        %mul3A_383 = arith.mulf %exp3A_359, %get3A_382 : vector<16xf32>
        %add3A_384 = arith.addf %add3A_246, %mul3A_383 : vector<16xf32>
        %get3A_385 = arith.constant 3 : i32
        %get3A_386 = arith.index_cast %get3A_385 : i32 to index
        %get3A_387 = arith.index_cast %add3A_354 : i32 to index
        %get3A_388 = arith.index_cast %mul3A_74 : i32 to index
        %get3A_389 = tpu.vector_load %arg6[%get3A_386, %get3A_387, %get3A_388] {strides = array<i32>} : memref<16x64x32xf32, #tpu.memory_space<vmem>>, vector<1x1x16xf32>,
        %get3A_390 = vector.shape_cast %get3A_389 : vector<1x1x16xf32> to vector<16xf32>
        %mul3A_391 = arith.mulf %exp3A_359, %get3A_390 : vector<16xf32>
        %add3A_392 = arith.addf %add3A_254, %mul3A_391 : vector<16xf32>
        %get3A_393 = arith.constant 4 : i32
        %get3A_394 = arith.index_cast %get3A_393 : i32 to index
        %get3A_395 = arith.index_cast %add3A_354 : i32 to index
        %get3A_396 = arith.index_cast %mul3A_74 : i32 to index
        %get3A_397 = tpu.vector_load %arg6[%get3A_394, %get3A_395, %get3A_396] {strides = array<i32>} : memref<16x64x32xf32, #tpu.memory_space<vmem>>, vector<1x1x16xf32>,
        %get3A_398 = vector.shape_cast %get3A_397 : vector<1x1x16xf32> to vector<16xf32>
        %mul3A_399 = arith.mulf %exp3A_359, %get3A_398 : vector<16xf32>
        %add3A_400 = arith.addf %add3A_262, %mul3A_399 : vector<16xf32>
        %get3A_401 = arith.constant 5 : i32
        %get3A_402 = arith.index_cast %get3A_401 : i32 to index
        %get3A_403 = arith.index_cast %add3A_354 : i32 to index
        %get3A_404 = arith.index_cast %mul3A_74 : i32 to index
        %get3A_405 = tpu.vector_load %arg6[%get3A_402, %get3A_403, %get3A_404] {strides = array<i32>} : memref<16x64x32xf32, #tpu.memory_space<vmem>>, vector<1x1x16xf32>,
        %get3A_406 = vector.shape_cast %get3A_405 : vector<1x1x16xf32> to vector<16xf32>
        %mul3A_407 = arith.mulf %exp3A_359, %get3A_406 : vector<16xf32>
        %add3A_408 = arith.addf %add3A_270, %mul3A_407 : vector<16xf32>
        %get3A_409 = arith.constant 6 : i32
        %get3A_410 = arith.index_cast %get3A_409 : i32 to index
        %get3A_411 = arith.index_cast %add3A_354 : i32 to index
        %get3A_412 = arith.index_cast %mul3A_74 : i32 to index
        %get3A_413 = tpu.vector_load %arg6[%get3A_410, %get3A_411, %get3A_412] {strides = array<i32>} : memref<16x64x32xf32, #tpu.memory_space<vmem>>, vector<1x1x16xf32>,
        %get3A_414 = vector.shape_cast %get3A_413 : vector<1x1x16xf32> to vector<16xf32>
        %mul3A_415 = arith.mulf %exp3A_359, %get3A_414 : vector<16xf32>
        %add3A_416 = arith.addf %add3A_278, %mul3A_415 : vector<16xf32>
        %get3A_417 = arith.constant 7 : i32
        %get3A_418 = arith.index_cast %get3A_417 : i32 to index
        %get3A_419 = arith.index_cast %add3A_354 : i32 to index
        %get3A_420 = arith.index_cast %mul3A_74 : i32 to index
        %get3A_421 = tpu.vector_load %arg6[%get3A_418, %get3A_419, %get3A_420] {strides = array<i32>} : memref<16x64x32xf32, #tpu.memory_space<vmem>>, vector<1x1x16xf32>,
        %get3A_422 = vector.shape_cast %get3A_421 : vector<1x1x16xf32> to vector<16xf32>
        %mul3A_423 = arith.mulf %exp3A_359, %get3A_422 : vector<16xf32>
        %add3A_424 = arith.addf %add3A_286, %mul3A_423 : vector<16xf32>
        %get3A_425 = arith.constant 8 : i32
        %get3A_426 = arith.index_cast %get3A_425 : i32 to index
        %get3A_427 = arith.index_cast %add3A_354 : i32 to index
        %get3A_428 = arith.index_cast %mul3A_74 : i32 to index
        %get3A_429 = tpu.vector_load %arg6[%get3A_426, %get3A_427, %get3A_428] {strides = array<i32>} : memref<16x64x32xf32, #tpu.memory_space<vmem>>, vector<1x1x16xf32>,
        %get3A_430 = vector.shape_cast %get3A_429 : vector<1x1x16xf32> to vector<16xf32>
        %mul3A_431 = arith.mulf %exp3A_359, %get3A_430 : vector<16xf32>
        %add3A_432 = arith.addf %add3A_294, %mul3A_431 : vector<16xf32>
        %get3A_433 = arith.constant 9 : i32
        %get3A_434 = arith.index_cast %get3A_433 : i32 to index
        %get3A_435 = arith.index_cast %add3A_354 : i32 to index
        %get3A_436 = arith.index_cast %mul3A_74 : i32 to index
        %get3A_437 = tpu.vector_load %arg6[%get3A_434, %get3A_435, %get3A_436] {strides = array<i32>} : memref<16x64x32xf32, #tpu.memory_space<vmem>>, vector<1x1x16xf32>,
        %get3A_438 = vector.shape_cast %get3A_437 : vector<1x1x16xf32> to vector<16xf32>
        %mul3A_439 = arith.mulf %exp3A_359, %get3A_438 : vector<16xf32>
        %add3A_440 = arith.addf %add3A_302, %mul3A_439 : vector<16xf32>
        %get3A_441 = arith.constant 10 : i32
        %get3A_442 = arith.index_cast %get3A_441 : i32 to index
        %get3A_443 = arith.index_cast %add3A_354 : i32 to index
        %get3A_444 = arith.index_cast %mul3A_74 : i32 to index
        %get3A_445 = tpu.vector_load %arg6[%get3A_442, %get3A_443, %get3A_444] {strides = array<i32>} : memref<16x64x32xf32, #tpu.memory_space<vmem>>, vector<1x1x16xf32>,
        %get3A_446 = vector.shape_cast %get3A_445 : vector<1x1x16xf32> to vector<16xf32>
        %mul3A_447 = arith.mulf %exp3A_359, %get3A_446 : vector<16xf32>
        %add3A_448 = arith.addf %add3A_310, %mul3A_447 : vector<16xf32>
        %get3A_449 = arith.constant 11 : i32
        %get3A_450 = arith.index_cast %get3A_449 : i32 to index
        %get3A_451 = arith.index_cast %add3A_354 : i32 to index
        %get3A_452 = arith.index_cast %mul3A_74 : i32 to index
        %get3A_453 = tpu.vector_load %arg6[%get3A_450, %get3A_451, %get3A_452] {strides = array<i32>} : memref<16x64x32xf32, #tpu.memory_space<vmem>>, vector<1x1x16xf32>,
        %get3A_454 = vector.shape_cast %get3A_453 : vector<1x1x16xf32> to vector<16xf32>
        %mul3A_455 = arith.mulf %exp3A_359, %get3A_454 : vector<16xf32>
        %add3A_456 = arith.addf %add3A_318, %mul3A_455 : vector<16xf32>
        %get3A_457 = arith.constant 12 : i32
        %get3A_458 = arith.index_cast %get3A_457 : i32 to index
        %get3A_459 = arith.index_cast %add3A_354 : i32 to index
        %get3A_460 = arith.index_cast %mul3A_74 : i32 to index
        %get3A_461 = tpu.vector_load %arg6[%get3A_458, %get3A_459, %get3A_460] {strides = array<i32>} : memref<16x64x32xf32, #tpu.memory_space<vmem>>, vector<1x1x16xf32>,
        %get3A_462 = vector.shape_cast %get3A_461 : vector<1x1x16xf32> to vector<16xf32>
        %mul3A_463 = arith.mulf %exp3A_359, %get3A_462 : vector<16xf32>
        %add3A_464 = arith.addf %add3A_326, %mul3A_463 : vector<16xf32>
        %get3A_465 = arith.constant 13 : i32
        %get3A_466 = arith.index_cast %get3A_465 : i32 to index
        %get3A_467 = arith.index_cast %add3A_354 : i32 to index
        %get3A_468 = arith.index_cast %mul3A_74 : i32 to index
        %get3A_469 = tpu.vector_load %arg6[%get3A_466, %get3A_467, %get3A_468] {strides = array<i32>} : memref<16x64x32xf32, #tpu.memory_space<vmem>>, vector<1x1x16xf32>,
        %get3A_470 = vector.shape_cast %get3A_469 : vector<1x1x16xf32> to vector<16xf32>
        %mul3A_471 = arith.mulf %exp3A_359, %get3A_470 : vector<16xf32>
        %add3A_472 = arith.addf %add3A_334, %mul3A_471 : vector<16xf32>
        %get3A_473 = arith.constant 14 : i32
        %get3A_474 = arith.index_cast %get3A_473 : i32 to index
        %get3A_475 = arith.index_cast %add3A_354 : i32 to index
        %get3A_476 = arith.index_cast %mul3A_74 : i32 to index
        %get3A_477 = tpu.vector_load %arg6[%get3A_474, %get3A_475, %get3A_476] {strides = array<i32>} : memref<16x64x32xf32, #tpu.memory_space<vmem>>, vector<1x1x16xf32>,
        %get3A_478 = vector.shape_cast %get3A_477 : vector<1x1x16xf32> to vector<16xf32>
        %mul3A_479 = arith.mulf %exp3A_359, %get3A_478 : vector<16xf32>
        %add3A_480 = arith.addf %add3A_342, %mul3A_479 : vector<16xf32>
        %get3A_481 = arith.constant 15 : i32
        %get3A_482 = arith.index_cast %get3A_481 : i32 to index
        %get3A_483 = arith.index_cast %add3A_354 : i32 to index
        %get3A_484 = arith.index_cast %mul3A_74 : i32 to index
        %get3A_485 = tpu.vector_load %arg6[%get3A_482, %get3A_483, %get3A_484] {strides = array<i32>} : memref<16x64x32xf32, #tpu.memory_space<vmem>>, vector<1x1x16xf32>,
        %get3A_486 = vector.shape_cast %get3A_485 : vector<1x1x16xf32> to vector<16xf32>
        %mul3A_487 = arith.mulf %exp3A_359, %get3A_486 : vector<16xf32>
        %add3A_488 = arith.addf %add3A_350, %mul3A_487 : vector<16xf32>
        %mul3A_489 = arith.constant 8 : i32
        %mul3A_490 = arith.muli %scan3A_197, %mul3A_489 : i32
        %add3A_491 = arith.constant 2 : i32
        %add3A_492 = arith.addi %mul3A_490, %add3A_491 : i32
        %get3A_493 = arith.index_cast %add3A_492 : i32 to index
        %get3A_494 = arith.index_cast %mul3A_74 : i32 to index
        %get3A_495 = tpu.vector_load %arg5[%get3A_493, %get3A_494] {strides = array<i32>} : memref<64x32xf32, #tpu.memory_space<vmem>>, vector<1x16xf32>,
        %get3A_496 = vector.shape_cast %get3A_495 : vector<1x16xf32> to vector<16xf32>
        %exp3A_497 = math.exp %get3A_496 : vector<16xf32>
        %add3A_498 = arith.addf %add3A_360, %exp3A_497 : vector<16xf32>
        %get3A_499 = arith.constant 0 : i32
        %get3A_500 = arith.index_cast %get3A_499 : i32 to index
        %get3A_501 = arith.index_cast %add3A_492 : i32 to index
        %get3A_502 = arith.index_cast %mul3A_74 : i32 to index
        %get3A_503 = tpu.vector_load %arg6[%get3A_500, %get3A_501, %get3A_502] {strides = array<i32>} : memref<16x64x32xf32, #tpu.memory_space<vmem>>, vector<1x1x16xf32>,
        %get3A_504 = vector.shape_cast %get3A_503 : vector<1x1x16xf32> to vector<16xf32>
        %mul3A_505 = arith.mulf %exp3A_497, %get3A_504 : vector<16xf32>
        %add3A_506 = arith.addf %add3A_368, %mul3A_505 : vector<16xf32>
        %get3A_507 = arith.constant 1 : i32
        %get3A_508 = arith.index_cast %get3A_507 : i32 to index
        %get3A_509 = arith.index_cast %add3A_492 : i32 to index
        %get3A_510 = arith.index_cast %mul3A_74 : i32 to index
        %get3A_511 = tpu.vector_load %arg6[%get3A_508, %get3A_509, %get3A_510] {strides = array<i32>} : memref<16x64x32xf32, #tpu.memory_space<vmem>>, vector<1x1x16xf32>,
        %get3A_512 = vector.shape_cast %get3A_511 : vector<1x1x16xf32> to vector<16xf32>
        %mul3A_513 = arith.mulf %exp3A_497, %get3A_512 : vector<16xf32>
        %add3A_514 = arith.addf %add3A_376, %mul3A_513 : vector<16xf32>
        %get3A_515 = arith.constant 2 : i32
        %get3A_516 = arith.index_cast %get3A_515 : i32 to index
        %get3A_517 = arith.index_cast %add3A_492 : i32 to index
        %get3A_518 = arith.index_cast %mul3A_74 : i32 to index
        %get3A_519 = tpu.vector_load %arg6[%get3A_516, %get3A_517, %get3A_518] {strides = array<i32>} : memref<16x64x32xf32, #tpu.memory_space<vmem>>, vector<1x1x16xf32>,
        %get3A_520 = vector.shape_cast %get3A_519 : vector<1x1x16xf32> to vector<16xf32>
        %mul3A_521 = arith.mulf %exp3A_497, %get3A_520 : vector<16xf32>
        %add3A_522 = arith.addf %add3A_384, %mul3A_521 : vector<16xf32>
        %get3A_523 = arith.constant 3 : i32
        %get3A_524 = arith.index_cast %get3A_523 : i32 to index
        %get3A_525 = arith.index_cast %add3A_492 : i32 to index
        %get3A_526 = arith.index_cast %mul3A_74 : i32 to index
        %get3A_527 = tpu.vector_load %arg6[%get3A_524, %get3A_525, %get3A_526] {strides = array<i32>} : memref<16x64x32xf32, #tpu.memory_space<vmem>>, vector<1x1x16xf32>,
        %get3A_528 = vector.shape_cast %get3A_527 : vector<1x1x16xf32> to vector<16xf32>
        %mul3A_529 = arith.mulf %exp3A_497, %get3A_528 : vector<16xf32>
        %add3A_530 = arith.addf %add3A_392, %mul3A_529 : vector<16xf32>
        %get3A_531 = arith.constant 4 : i32
        %get3A_532 = arith.index_cast %get3A_531 : i32 to index
        %get3A_533 = arith.index_cast %add3A_492 : i32 to index
        %get3A_534 = arith.index_cast %mul3A_74 : i32 to index
        %get3A_535 = tpu.vector_load %arg6[%get3A_532, %get3A_533, %get3A_534] {strides = array<i32>} : memref<16x64x32xf32, #tpu.memory_space<vmem>>, vector<1x1x16xf32>,
        %get3A_536 = vector.shape_cast %get3A_535 : vector<1x1x16xf32> to vector<16xf32>
        %mul3A_537 = arith.mulf %exp3A_497, %get3A_536 : vector<16xf32>
        %add3A_538 = arith.addf %add3A_400, %mul3A_537 : vector<16xf32>
        %get3A_539 = arith.constant 5 : i32
        %get3A_540 = arith.index_cast %get3A_539 : i32 to index
        %get3A_541 = arith.index_cast %add3A_492 : i32 to index
        %get3A_542 = arith.index_cast %mul3A_74 : i32 to index
        %get3A_543 = tpu.vector_load %arg6[%get3A_540, %get3A_541, %get3A_542] {strides = array<i32>} : memref<16x64x32xf32, #tpu.memory_space<vmem>>, vector<1x1x16xf32>,
        %get3A_544 = vector.shape_cast %get3A_543 : vector<1x1x16xf32> to vector<16xf32>
        %mul3A_545 = arith.mulf %exp3A_497, %get3A_544 : vector<16xf32>
        %add3A_546 = arith.addf %add3A_408, %mul3A_545 : vector<16xf32>
        %get3A_547 = arith.constant 6 : i32
        %get3A_548 = arith.index_cast %get3A_547 : i32 to index
        %get3A_549 = arith.index_cast %add3A_492 : i32 to index
        %get3A_550 = arith.index_cast %mul3A_74 : i32 to index
        %get3A_551 = tpu.vector_load %arg6[%get3A_548, %get3A_549, %get3A_550] {strides = array<i32>} : memref<16x64x32xf32, #tpu.memory_space<vmem>>, vector<1x1x16xf32>,
        %get3A_552 = vector.shape_cast %get3A_551 : vector<1x1x16xf32> to vector<16xf32>
        %mul3A_553 = arith.mulf %exp3A_497, %get3A_552 : vector<16xf32>
        %add3A_554 = arith.addf %add3A_416, %mul3A_553 : vector<16xf32>
        %get3A_555 = arith.constant 7 : i32
        %get3A_556 = arith.index_cast %get3A_555 : i32 to index
        %get3A_557 = arith.index_cast %add3A_492 : i32 to index
        %get3A_558 = arith.index_cast %mul3A_74 : i32 to index
        %get3A_559 = tpu.vector_load %arg6[%get3A_556, %get3A_557, %get3A_558] {strides = array<i32>} : memref<16x64x32xf32, #tpu.memory_space<vmem>>, vector<1x1x16xf32>,
        %get3A_560 = vector.shape_cast %get3A_559 : vector<1x1x16xf32> to vector<16xf32>
        %mul3A_561 = arith.mulf %exp3A_497, %get3A_560 : vector<16xf32>
        %add3A_562 = arith.addf %add3A_424, %mul3A_561 : vector<16xf32>
        %get3A_563 = arith.constant 8 : i32
        %get3A_564 = arith.index_cast %get3A_563 : i32 to index
        %get3A_565 = arith.index_cast %add3A_492 : i32 to index
        %get3A_566 = arith.index_cast %mul3A_74 : i32 to index
        %get3A_567 = tpu.vector_load %arg6[%get3A_564, %get3A_565, %get3A_566] {strides = array<i32>} : memref<16x64x32xf32, #tpu.memory_space<vmem>>, vector<1x1x16xf32>,
        %get3A_568 = vector.shape_cast %get3A_567 : vector<1x1x16xf32> to vector<16xf32>
        %mul3A_569 = arith.mulf %exp3A_497, %get3A_568 : vector<16xf32>
        %add3A_570 = arith.addf %add3A_432, %mul3A_569 : vector<16xf32>
        %get3A_571 = arith.constant 9 : i32
        %get3A_572 = arith.index_cast %get3A_571 : i32 to index
        %get3A_573 = arith.index_cast %add3A_492 : i32 to index
        %get3A_574 = arith.index_cast %mul3A_74 : i32 to index
        %get3A_575 = tpu.vector_load %arg6[%get3A_572, %get3A_573, %get3A_574] {strides = array<i32>} : memref<16x64x32xf32, #tpu.memory_space<vmem>>, vector<1x1x16xf32>,
        %get3A_576 = vector.shape_cast %get3A_575 : vector<1x1x16xf32> to vector<16xf32>
        %mul3A_577 = arith.mulf %exp3A_497, %get3A_576 : vector<16xf32>
        %add3A_578 = arith.addf %add3A_440, %mul3A_577 : vector<16xf32>
        %get3A_579 = arith.constant 10 : i32
        %get3A_580 = arith.index_cast %get3A_579 : i32 to index
        %get3A_581 = arith.index_cast %add3A_492 : i32 to index
        %get3A_582 = arith.index_cast %mul3A_74 : i32 to index
        %get3A_583 = tpu.vector_load %arg6[%get3A_580, %get3A_581, %get3A_582] {strides = array<i32>} : memref<16x64x32xf32, #tpu.memory_space<vmem>>, vector<1x1x16xf32>,
        %get3A_584 = vector.shape_cast %get3A_583 : vector<1x1x16xf32> to vector<16xf32>
        %mul3A_585 = arith.mulf %exp3A_497, %get3A_584 : vector<16xf32>
        %add3A_586 = arith.addf %add3A_448, %mul3A_585 : vector<16xf32>
        %get3A_587 = arith.constant 11 : i32
        %get3A_588 = arith.index_cast %get3A_587 : i32 to index
        %get3A_589 = arith.index_cast %add3A_492 : i32 to index
        %get3A_590 = arith.index_cast %mul3A_74 : i32 to index
        %get3A_591 = tpu.vector_load %arg6[%get3A_588, %get3A_589, %get3A_590] {strides = array<i32>} : memref<16x64x32xf32, #tpu.memory_space<vmem>>, vector<1x1x16xf32>,
        %get3A_592 = vector.shape_cast %get3A_591 : vector<1x1x16xf32> to vector<16xf32>
        %mul3A_593 = arith.mulf %exp3A_497, %get3A_592 : vector<16xf32>
        %add3A_594 = arith.addf %add3A_456, %mul3A_593 : vector<16xf32>
        %get3A_595 = arith.constant 12 : i32
        %get3A_596 = arith.index_cast %get3A_595 : i32 to index
        %get3A_597 = arith.index_cast %add3A_492 : i32 to index
        %get3A_598 = arith.index_cast %mul3A_74 : i32 to index
        %get3A_599 = tpu.vector_load %arg6[%get3A_596, %get3A_597, %get3A_598] {strides = array<i32>} : memref<16x64x32xf32, #tpu.memory_space<vmem>>, vector<1x1x16xf32>,
        %get3A_600 = vector.shape_cast %get3A_599 : vector<1x1x16xf32> to vector<16xf32>
        %mul3A_601 = arith.mulf %exp3A_497, %get3A_600 : vector<16xf32>
        %add3A_602 = arith.addf %add3A_464, %mul3A_601 : vector<16xf32>
        %get3A_603 = arith.constant 13 : i32
        %get3A_604 = arith.index_cast %get3A_603 : i32 to index
        %get3A_605 = arith.index_cast %add3A_492 : i32 to index
        %get3A_606 = arith.index_cast %mul3A_74 : i32 to index
        %get3A_607 = tpu.vector_load %arg6[%get3A_604, %get3A_605, %get3A_606] {strides = array<i32>} : memref<16x64x32xf32, #tpu.memory_space<vmem>>, vector<1x1x16xf32>,
        %get3A_608 = vector.shape_cast %get3A_607 : vector<1x1x16xf32> to vector<16xf32>
        %mul3A_609 = arith.mulf %exp3A_497, %get3A_608 : vector<16xf32>
        %add3A_610 = arith.addf %add3A_472, %mul3A_609 : vector<16xf32>
        %get3A_611 = arith.constant 14 : i32
        %get3A_612 = arith.index_cast %get3A_611 : i32 to index
        %get3A_613 = arith.index_cast %add3A_492 : i32 to index
        %get3A_614 = arith.index_cast %mul3A_74 : i32 to index
        %get3A_615 = tpu.vector_load %arg6[%get3A_612, %get3A_613, %get3A_614] {strides = array<i32>} : memref<16x64x32xf32, #tpu.memory_space<vmem>>, vector<1x1x16xf32>,
        %get3A_616 = vector.shape_cast %get3A_615 : vector<1x1x16xf32> to vector<16xf32>
        %mul3A_617 = arith.mulf %exp3A_497, %get3A_616 : vector<16xf32>
        %add3A_618 = arith.addf %add3A_480, %mul3A_617 : vector<16xf32>
        %get3A_619 = arith.constant 15 : i32
        %get3A_620 = arith.index_cast %get3A_619 : i32 to index
        %get3A_621 = arith.index_cast %add3A_492 : i32 to index
        %get3A_622 = arith.index_cast %mul3A_74 : i32 to index
        %get3A_623 = tpu.vector_load %arg6[%get3A_620, %get3A_621, %get3A_622] {strides = array<i32>} : memref<16x64x32xf32, #tpu.memory_space<vmem>>, vector<1x1x16xf32>,
        %get3A_624 = vector.shape_cast %get3A_623 : vector<1x1x16xf32> to vector<16xf32>
        %mul3A_625 = arith.mulf %exp3A_497, %get3A_624 : vector<16xf32>
        %add3A_626 = arith.addf %add3A_488, %mul3A_625 : vector<16xf32>
        %mul3A_627 = arith.constant 8 : i32
        %mul3A_628 = arith.muli %scan3A_197, %mul3A_627 : i32
        %add3A_629 = arith.constant 3 : i32
        %add3A_630 = arith.addi %mul3A_628, %add3A_629 : i32
        %get3A_631 = arith.index_cast %add3A_630 : i32 to index
        %get3A_632 = arith.index_cast %mul3A_74 : i32 to index
        %get3A_633 = tpu.vector_load %arg5[%get3A_631, %get3A_632] {strides = array<i32>} : memref<64x32xf32, #tpu.memory_space<vmem>>, vector<1x16xf32>,
        %get3A_634 = vector.shape_cast %get3A_633 : vector<1x16xf32> to vector<16xf32>
        %exp3A_635 = math.exp %get3A_634 : vector<16xf32>
        %add3A_636 = arith.addf %add3A_498, %exp3A_635 : vector<16xf32>
        %get3A_637 = arith.constant 0 : i32
        %get3A_638 = arith.index_cast %get3A_637 : i32 to index
        %get3A_639 = arith.index_cast %add3A_630 : i32 to index
        %get3A_640 = arith.index_cast %mul3A_74 : i32 to index
        %get3A_641 = tpu.vector_load %arg6[%get3A_638, %get3A_639, %get3A_640] {strides = array<i32>} : memref<16x64x32xf32, #tpu.memory_space<vmem>>, vector<1x1x16xf32>,
        %get3A_642 = vector.shape_cast %get3A_641 : vector<1x1x16xf32> to vector<16xf32>
        %mul3A_643 = arith.mulf %exp3A_635, %get3A_642 : vector<16xf32>
        %add3A_644 = arith.addf %add3A_506, %mul3A_643 : vector<16xf32>
        %get3A_645 = arith.constant 1 : i32
        %get3A_646 = arith.index_cast %get3A_645 : i32 to index
        %get3A_647 = arith.index_cast %add3A_630 : i32 to index
        %get3A_648 = arith.index_cast %mul3A_74 : i32 to index
        %get3A_649 = tpu.vector_load %arg6[%get3A_646, %get3A_647, %get3A_648] {strides = array<i32>} : memref<16x64x32xf32, #tpu.memory_space<vmem>>, vector<1x1x16xf32>,
        %get3A_650 = vector.shape_cast %get3A_649 : vector<1x1x16xf32> to vector<16xf32>
        %mul3A_651 = arith.mulf %exp3A_635, %get3A_650 : vector<16xf32>
        %add3A_652 = arith.addf %add3A_514, %mul3A_651 : vector<16xf32>
        %get3A_653 = arith.constant 2 : i32
        %get3A_654 = arith.index_cast %get3A_653 : i32 to index
        %get3A_655 = arith.index_cast %add3A_630 : i32 to index
        %get3A_656 = arith.index_cast %mul3A_74 : i32 to index
        %get3A_657 = tpu.vector_load %arg6[%get3A_654, %get3A_655, %get3A_656] {strides = array<i32>} : memref<16x64x32xf32, #tpu.memory_space<vmem>>, vector<1x1x16xf32>,
        %get3A_658 = vector.shape_cast %get3A_657 : vector<1x1x16xf32> to vector<16xf32>
        %mul3A_659 = arith.mulf %exp3A_635, %get3A_658 : vector<16xf32>
        %add3A_660 = arith.addf %add3A_522, %mul3A_659 : vector<16xf32>
        %get3A_661 = arith.constant 3 : i32
        %get3A_662 = arith.index_cast %get3A_661 : i32 to index
        %get3A_663 = arith.index_cast %add3A_630 : i32 to index
        %get3A_664 = arith.index_cast %mul3A_74 : i32 to index
        %get3A_665 = tpu.vector_load %arg6[%get3A_662, %get3A_663, %get3A_664] {strides = array<i32>} : memref<16x64x32xf32, #tpu.memory_space<vmem>>, vector<1x1x16xf32>,
        %get3A_666 = vector.shape_cast %get3A_665 : vector<1x1x16xf32> to vector<16xf32>
        %mul3A_667 = arith.mulf %exp3A_635, %get3A_666 : vector<16xf32>
        %add3A_668 = arith.addf %add3A_530, %mul3A_667 : vector<16xf32>
        %get3A_669 = arith.constant 4 : i32
        %get3A_670 = arith.index_cast %get3A_669 : i32 to index
        %get3A_671 = arith.index_cast %add3A_630 : i32 to index
        %get3A_672 = arith.index_cast %mul3A_74 : i32 to index
        %get3A_673 = tpu.vector_load %arg6[%get3A_670, %get3A_671, %get3A_672] {strides = array<i32>} : memref<16x64x32xf32, #tpu.memory_space<vmem>>, vector<1x1x16xf32>,
        %get3A_674 = vector.shape_cast %get3A_673 : vector<1x1x16xf32> to vector<16xf32>
        %mul3A_675 = arith.mulf %exp3A_635, %get3A_674 : vector<16xf32>
        %add3A_676 = arith.addf %add3A_538, %mul3A_675 : vector<16xf32>
        %get3A_677 = arith.constant 5 : i32
        %get3A_678 = arith.index_cast %get3A_677 : i32 to index
        %get3A_679 = arith.index_cast %add3A_630 : i32 to index
        %get3A_680 = arith.index_cast %mul3A_74 : i32 to index
        %get3A_681 = tpu.vector_load %arg6[%get3A_678, %get3A_679, %get3A_680] {strides = array<i32>} : memref<16x64x32xf32, #tpu.memory_space<vmem>>, vector<1x1x16xf32>,
        %get3A_682 = vector.shape_cast %get3A_681 : vector<1x1x16xf32> to vector<16xf32>
        %mul3A_683 = arith.mulf %exp3A_635, %get3A_682 : vector<16xf32>
        %add3A_684 = arith.addf %add3A_546, %mul3A_683 : vector<16xf32>
        %get3A_685 = arith.constant 6 : i32
        %get3A_686 = arith.index_cast %get3A_685 : i32 to index
        %get3A_687 = arith.index_cast %add3A_630 : i32 to index
        %get3A_688 = arith.index_cast %mul3A_74 : i32 to index
        %get3A_689 = tpu.vector_load %arg6[%get3A_686, %get3A_687, %get3A_688] {strides = array<i32>} : memref<16x64x32xf32, #tpu.memory_space<vmem>>, vector<1x1x16xf32>,
        %get3A_690 = vector.shape_cast %get3A_689 : vector<1x1x16xf32> to vector<16xf32>
        %mul3A_691 = arith.mulf %exp3A_635, %get3A_690 : vector<16xf32>
        %add3A_692 = arith.addf %add3A_554, %mul3A_691 : vector<16xf32>
        %get3A_693 = arith.constant 7 : i32
        %get3A_694 = arith.index_cast %get3A_693 : i32 to index
        %get3A_695 = arith.index_cast %add3A_630 : i32 to index
        %get3A_696 = arith.index_cast %mul3A_74 : i32 to index
        %get3A_697 = tpu.vector_load %arg6[%get3A_694, %get3A_695, %get3A_696] {strides = array<i32>} : memref<16x64x32xf32, #tpu.memory_space<vmem>>, vector<1x1x16xf32>,
        %get3A_698 = vector.shape_cast %get3A_697 : vector<1x1x16xf32> to vector<16xf32>
        %mul3A_699 = arith.mulf %exp3A_635, %get3A_698 : vector<16xf32>
        %add3A_700 = arith.addf %add3A_562, %mul3A_699 : vector<16xf32>
        %get3A_701 = arith.constant 8 : i32
        %get3A_702 = arith.index_cast %get3A_701 : i32 to index
        %get3A_703 = arith.index_cast %add3A_630 : i32 to index
        %get3A_704 = arith.index_cast %mul3A_74 : i32 to index
        %get3A_705 = tpu.vector_load %arg6[%get3A_702, %get3A_703, %get3A_704] {strides = array<i32>} : memref<16x64x32xf32, #tpu.memory_space<vmem>>, vector<1x1x16xf32>,
        %get3A_706 = vector.shape_cast %get3A_705 : vector<1x1x16xf32> to vector<16xf32>
        %mul3A_707 = arith.mulf %exp3A_635, %get3A_706 : vector<16xf32>
        %add3A_708 = arith.addf %add3A_570, %mul3A_707 : vector<16xf32>
        %get3A_709 = arith.constant 9 : i32
        %get3A_710 = arith.index_cast %get3A_709 : i32 to index
        %get3A_711 = arith.index_cast %add3A_630 : i32 to index
        %get3A_712 = arith.index_cast %mul3A_74 : i32 to index
        %get3A_713 = tpu.vector_load %arg6[%get3A_710, %get3A_711, %get3A_712] {strides = array<i32>} : memref<16x64x32xf32, #tpu.memory_space<vmem>>, vector<1x1x16xf32>,
        %get3A_714 = vector.shape_cast %get3A_713 : vector<1x1x16xf32> to vector<16xf32>
        %mul3A_715 = arith.mulf %exp3A_635, %get3A_714 : vector<16xf32>
        %add3A_716 = arith.addf %add3A_578, %mul3A_715 : vector<16xf32>
        %get3A_717 = arith.constant 10 : i32
        %get3A_718 = arith.index_cast %get3A_717 : i32 to index
        %get3A_719 = arith.index_cast %add3A_630 : i32 to index
        %get3A_720 = arith.index_cast %mul3A_74 : i32 to index
        %get3A_721 = tpu.vector_load %arg6[%get3A_718, %get3A_719, %get3A_720] {strides = array<i32>} : memref<16x64x32xf32, #tpu.memory_space<vmem>>, vector<1x1x16xf32>,
        %get3A_722 = vector.shape_cast %get3A_721 : vector<1x1x16xf32> to vector<16xf32>
        %mul3A_723 = arith.mulf %exp3A_635, %get3A_722 : vector<16xf32>
        %add3A_724 = arith.addf %add3A_586, %mul3A_723 : vector<16xf32>
        %get3A_725 = arith.constant 11 : i32
        %get3A_726 = arith.index_cast %get3A_725 : i32 to index
        %get3A_727 = arith.index_cast %add3A_630 : i32 to index
        %get3A_728 = arith.index_cast %mul3A_74 : i32 to index
        %get3A_729 = tpu.vector_load %arg6[%get3A_726, %get3A_727, %get3A_728] {strides = array<i32>} : memref<16x64x32xf32, #tpu.memory_space<vmem>>, vector<1x1x16xf32>,
        %get3A_730 = vector.shape_cast %get3A_729 : vector<1x1x16xf32> to vector<16xf32>
        %mul3A_731 = arith.mulf %exp3A_635, %get3A_730 : vector<16xf32>
        %add3A_732 = arith.addf %add3A_594, %mul3A_731 : vector<16xf32>
        %get3A_733 = arith.constant 12 : i32
        %get3A_734 = arith.index_cast %get3A_733 : i32 to index
        %get3A_735 = arith.index_cast %add3A_630 : i32 to index
        %get3A_736 = arith.index_cast %mul3A_74 : i32 to index
        %get3A_737 = tpu.vector_load %arg6[%get3A_734, %get3A_735, %get3A_736] {strides = array<i32>} : memref<16x64x32xf32, #tpu.memory_space<vmem>>, vector<1x1x16xf32>,
        %get3A_738 = vector.shape_cast %get3A_737 : vector<1x1x16xf32> to vector<16xf32>
        %mul3A_739 = arith.mulf %exp3A_635, %get3A_738 : vector<16xf32>
        %add3A_740 = arith.addf %add3A_602, %mul3A_739 : vector<16xf32>
        %get3A_741 = arith.constant 13 : i32
        %get3A_742 = arith.index_cast %get3A_741 : i32 to index
        %get3A_743 = arith.index_cast %add3A_630 : i32 to index
        %get3A_744 = arith.index_cast %mul3A_74 : i32 to index
        %get3A_745 = tpu.vector_load %arg6[%get3A_742, %get3A_743, %get3A_744] {strides = array<i32>} : memref<16x64x32xf32, #tpu.memory_space<vmem>>, vector<1x1x16xf32>,
        %get3A_746 = vector.shape_cast %get3A_745 : vector<1x1x16xf32> to vector<16xf32>
        %mul3A_747 = arith.mulf %exp3A_635, %get3A_746 : vector<16xf32>
        %add3A_748 = arith.addf %add3A_610, %mul3A_747 : vector<16xf32>
        %get3A_749 = arith.constant 14 : i32
        %get3A_750 = arith.index_cast %get3A_749 : i32 to index
        %get3A_751 = arith.index_cast %add3A_630 : i32 to index
        %get3A_752 = arith.index_cast %mul3A_74 : i32 to index
        %get3A_753 = tpu.vector_load %arg6[%get3A_750, %get3A_751, %get3A_752] {strides = array<i32>} : memref<16x64x32xf32, #tpu.memory_space<vmem>>, vector<1x1x16xf32>,
        %get3A_754 = vector.shape_cast %get3A_753 : vector<1x1x16xf32> to vector<16xf32>
        %mul3A_755 = arith.mulf %exp3A_635, %get3A_754 : vector<16xf32>
        %add3A_756 = arith.addf %add3A_618, %mul3A_755 : vector<16xf32>
        %get3A_757 = arith.constant 15 : i32
        %get3A_758 = arith.index_cast %get3A_757 : i32 to index
        %get3A_759 = arith.index_cast %add3A_630 : i32 to index
        %get3A_760 = arith.index_cast %mul3A_74 : i32 to index
        %get3A_761 = tpu.vector_load %arg6[%get3A_758, %get3A_759, %get3A_760] {strides = array<i32>} : memref<16x64x32xf32, #tpu.memory_space<vmem>>, vector<1x1x16xf32>,
        %get3A_762 = vector.shape_cast %get3A_761 : vector<1x1x16xf32> to vector<16xf32>
        %mul3A_763 = arith.mulf %exp3A_635, %get3A_762 : vector<16xf32>
        %add3A_764 = arith.addf %add3A_626, %mul3A_763 : vector<16xf32>
        %mul3A_765 = arith.constant 8 : i32
        %mul3A_766 = arith.muli %scan3A_197, %mul3A_765 : i32
        %add3A_767 = arith.constant 4 : i32
        %add3A_768 = arith.addi %mul3A_766, %add3A_767 : i32
        %get3A_769 = arith.index_cast %add3A_768 : i32 to index
        %get3A_770 = arith.index_cast %mul3A_74 : i32 to index
        %get3A_771 = tpu.vector_load %arg5[%get3A_769, %get3A_770] {strides = array<i32>} : memref<64x32xf32, #tpu.memory_space<vmem>>, vector<1x16xf32>,
        %get3A_772 = vector.shape_cast %get3A_771 : vector<1x16xf32> to vector<16xf32>
        %exp3A_773 = math.exp %get3A_772 : vector<16xf32>
        %add3A_774 = arith.addf %add3A_636, %exp3A_773 : vector<16xf32>
        %get3A_775 = arith.constant 0 : i32
        %get3A_776 = arith.index_cast %get3A_775 : i32 to index
        %get3A_777 = arith.index_cast %add3A_768 : i32 to index
        %get3A_778 = arith.index_cast %mul3A_74 : i32 to index
        %get3A_779 = tpu.vector_load %arg6[%get3A_776, %get3A_777, %get3A_778] {strides = array<i32>} : memref<16x64x32xf32, #tpu.memory_space<vmem>>, vector<1x1x16xf32>,
        %get3A_780 = vector.shape_cast %get3A_779 : vector<1x1x16xf32> to vector<16xf32>
        %mul3A_781 = arith.mulf %exp3A_773, %get3A_780 : vector<16xf32>
        %add3A_782 = arith.addf %add3A_644, %mul3A_781 : vector<16xf32>
        %get3A_783 = arith.constant 1 : i32
        %get3A_784 = arith.index_cast %get3A_783 : i32 to index
        %get3A_785 = arith.index_cast %add3A_768 : i32 to index
        %get3A_786 = arith.index_cast %mul3A_74 : i32 to index
        %get3A_787 = tpu.vector_load %arg6[%get3A_784, %get3A_785, %get3A_786] {strides = array<i32>} : memref<16x64x32xf32, #tpu.memory_space<vmem>>, vector<1x1x16xf32>,
        %get3A_788 = vector.shape_cast %get3A_787 : vector<1x1x16xf32> to vector<16xf32>
        %mul3A_789 = arith.mulf %exp3A_773, %get3A_788 : vector<16xf32>
        %add3A_790 = arith.addf %add3A_652, %mul3A_789 : vector<16xf32>
        %get3A_791 = arith.constant 2 : i32
        %get3A_792 = arith.index_cast %get3A_791 : i32 to index
        %get3A_793 = arith.index_cast %add3A_768 : i32 to index
        %get3A_794 = arith.index_cast %mul3A_74 : i32 to index
        %get3A_795 = tpu.vector_load %arg6[%get3A_792, %get3A_793, %get3A_794] {strides = array<i32>} : memref<16x64x32xf32, #tpu.memory_space<vmem>>, vector<1x1x16xf32>,
        %get3A_796 = vector.shape_cast %get3A_795 : vector<1x1x16xf32> to vector<16xf32>
        %mul3A_797 = arith.mulf %exp3A_773, %get3A_796 : vector<16xf32>
        %add3A_798 = arith.addf %add3A_660, %mul3A_797 : vector<16xf32>
        %get3A_799 = arith.constant 3 : i32
        %get3A_800 = arith.index_cast %get3A_799 : i32 to index
        %get3A_801 = arith.index_cast %add3A_768 : i32 to index
        %get3A_802 = arith.index_cast %mul3A_74 : i32 to index
        %get3A_803 = tpu.vector_load %arg6[%get3A_800, %get3A_801, %get3A_802] {strides = array<i32>} : memref<16x64x32xf32, #tpu.memory_space<vmem>>, vector<1x1x16xf32>,
        %get3A_804 = vector.shape_cast %get3A_803 : vector<1x1x16xf32> to vector<16xf32>
        %mul3A_805 = arith.mulf %exp3A_773, %get3A_804 : vector<16xf32>
        %add3A_806 = arith.addf %add3A_668, %mul3A_805 : vector<16xf32>
        %get3A_807 = arith.constant 4 : i32
        %get3A_808 = arith.index_cast %get3A_807 : i32 to index
        %get3A_809 = arith.index_cast %add3A_768 : i32 to index
        %get3A_810 = arith.index_cast %mul3A_74 : i32 to index
        %get3A_811 = tpu.vector_load %arg6[%get3A_808, %get3A_809, %get3A_810] {strides = array<i32>} : memref<16x64x32xf32, #tpu.memory_space<vmem>>, vector<1x1x16xf32>,
        %get3A_812 = vector.shape_cast %get3A_811 : vector<1x1x16xf32> to vector<16xf32>
        %mul3A_813 = arith.mulf %exp3A_773, %get3A_812 : vector<16xf32>
        %add3A_814 = arith.addf %add3A_676, %mul3A_813 : vector<16xf32>
        %get3A_815 = arith.constant 5 : i32
        %get3A_816 = arith.index_cast %get3A_815 : i32 to index
        %get3A_817 = arith.index_cast %add3A_768 : i32 to index
        %get3A_818 = arith.index_cast %mul3A_74 : i32 to index
        %get3A_819 = tpu.vector_load %arg6[%get3A_816, %get3A_817, %get3A_818] {strides = array<i32>} : memref<16x64x32xf32, #tpu.memory_space<vmem>>, vector<1x1x16xf32>,
        %get3A_820 = vector.shape_cast %get3A_819 : vector<1x1x16xf32> to vector<16xf32>
        %mul3A_821 = arith.mulf %exp3A_773, %get3A_820 : vector<16xf32>
        %add3A_822 = arith.addf %add3A_684, %mul3A_821 : vector<16xf32>
        %get3A_823 = arith.constant 6 : i32
        %get3A_824 = arith.index_cast %get3A_823 : i32 to index
        %get3A_825 = arith.index_cast %add3A_768 : i32 to index
        %get3A_826 = arith.index_cast %mul3A_74 : i32 to index
        %get3A_827 = tpu.vector_load %arg6[%get3A_824, %get3A_825, %get3A_826] {strides = array<i32>} : memref<16x64x32xf32, #tpu.memory_space<vmem>>, vector<1x1x16xf32>,
        %get3A_828 = vector.shape_cast %get3A_827 : vector<1x1x16xf32> to vector<16xf32>
        %mul3A_829 = arith.mulf %exp3A_773, %get3A_828 : vector<16xf32>
        %add3A_830 = arith.addf %add3A_692, %mul3A_829 : vector<16xf32>
        %get3A_831 = arith.constant 7 : i32
        %get3A_832 = arith.index_cast %get3A_831 : i32 to index
        %get3A_833 = arith.index_cast %add3A_768 : i32 to index
        %get3A_834 = arith.index_cast %mul3A_74 : i32 to index
        %get3A_835 = tpu.vector_load %arg6[%get3A_832, %get3A_833, %get3A_834] {strides = array<i32>} : memref<16x64x32xf32, #tpu.memory_space<vmem>>, vector<1x1x16xf32>,
        %get3A_836 = vector.shape_cast %get3A_835 : vector<1x1x16xf32> to vector<16xf32>
        %mul3A_837 = arith.mulf %exp3A_773, %get3A_836 : vector<16xf32>
        %add3A_838 = arith.addf %add3A_700, %mul3A_837 : vector<16xf32>
        %get3A_839 = arith.constant 8 : i32
        %get3A_840 = arith.index_cast %get3A_839 : i32 to index
        %get3A_841 = arith.index_cast %add3A_768 : i32 to index
        %get3A_842 = arith.index_cast %mul3A_74 : i32 to index
        %get3A_843 = tpu.vector_load %arg6[%get3A_840, %get3A_841, %get3A_842] {strides = array<i32>} : memref<16x64x32xf32, #tpu.memory_space<vmem>>, vector<1x1x16xf32>,
        %get3A_844 = vector.shape_cast %get3A_843 : vector<1x1x16xf32> to vector<16xf32>
        %mul3A_845 = arith.mulf %exp3A_773, %get3A_844 : vector<16xf32>
        %add3A_846 = arith.addf %add3A_708, %mul3A_845 : vector<16xf32>
        %get3A_847 = arith.constant 9 : i32
        %get3A_848 = arith.index_cast %get3A_847 : i32 to index
        %get3A_849 = arith.index_cast %add3A_768 : i32 to index
        %get3A_850 = arith.index_cast %mul3A_74 : i32 to index
        %get3A_851 = tpu.vector_load %arg6[%get3A_848, %get3A_849, %get3A_850] {strides = array<i32>} : memref<16x64x32xf32, #tpu.memory_space<vmem>>, vector<1x1x16xf32>,
        %get3A_852 = vector.shape_cast %get3A_851 : vector<1x1x16xf32> to vector<16xf32>
        %mul3A_853 = arith.mulf %exp3A_773, %get3A_852 : vector<16xf32>
        %add3A_854 = arith.addf %add3A_716, %mul3A_853 : vector<16xf32>
        %get3A_855 = arith.constant 10 : i32
        %get3A_856 = arith.index_cast %get3A_855 : i32 to index
        %get3A_857 = arith.index_cast %add3A_768 : i32 to index
        %get3A_858 = arith.index_cast %mul3A_74 : i32 to index
        %get3A_859 = tpu.vector_load %arg6[%get3A_856, %get3A_857, %get3A_858] {strides = array<i32>} : memref<16x64x32xf32, #tpu.memory_space<vmem>>, vector<1x1x16xf32>,
        %get3A_860 = vector.shape_cast %get3A_859 : vector<1x1x16xf32> to vector<16xf32>
        %mul3A_861 = arith.mulf %exp3A_773, %get3A_860 : vector<16xf32>
        %add3A_862 = arith.addf %add3A_724, %mul3A_861 : vector<16xf32>
        %get3A_863 = arith.constant 11 : i32
        %get3A_864 = arith.index_cast %get3A_863 : i32 to index
        %get3A_865 = arith.index_cast %add3A_768 : i32 to index
        %get3A_866 = arith.index_cast %mul3A_74 : i32 to index
        %get3A_867 = tpu.vector_load %arg6[%get3A_864, %get3A_865, %get3A_866] {strides = array<i32>} : memref<16x64x32xf32, #tpu.memory_space<vmem>>, vector<1x1x16xf32>,
        %get3A_868 = vector.shape_cast %get3A_867 : vector<1x1x16xf32> to vector<16xf32>
        %mul3A_869 = arith.mulf %exp3A_773, %get3A_868 : vector<16xf32>
        %add3A_870 = arith.addf %add3A_732, %mul3A_869 : vector<16xf32>
        %get3A_871 = arith.constant 12 : i32
        %get3A_872 = arith.index_cast %get3A_871 : i32 to index
        %get3A_873 = arith.index_cast %add3A_768 : i32 to index
        %get3A_874 = arith.index_cast %mul3A_74 : i32 to index
        %get3A_875 = tpu.vector_load %arg6[%get3A_872, %get3A_873, %get3A_874] {strides = array<i32>} : memref<16x64x32xf32, #tpu.memory_space<vmem>>, vector<1x1x16xf32>,
        %get3A_876 = vector.shape_cast %get3A_875 : vector<1x1x16xf32> to vector<16xf32>
        %mul3A_877 = arith.mulf %exp3A_773, %get3A_876 : vector<16xf32>
        %add3A_878 = arith.addf %add3A_740, %mul3A_877 : vector<16xf32>
        %get3A_879 = arith.constant 13 : i32
        %get3A_880 = arith.index_cast %get3A_879 : i32 to index
        %get3A_881 = arith.index_cast %add3A_768 : i32 to index
        %get3A_882 = arith.index_cast %mul3A_74 : i32 to index
        %get3A_883 = tpu.vector_load %arg6[%get3A_880, %get3A_881, %get3A_882] {strides = array<i32>} : memref<16x64x32xf32, #tpu.memory_space<vmem>>, vector<1x1x16xf32>,
        %get3A_884 = vector.shape_cast %get3A_883 : vector<1x1x16xf32> to vector<16xf32>
        %mul3A_885 = arith.mulf %exp3A_773, %get3A_884 : vector<16xf32>
        %add3A_886 = arith.addf %add3A_748, %mul3A_885 : vector<16xf32>
        %get3A_887 = arith.constant 14 : i32
        %get3A_888 = arith.index_cast %get3A_887 : i32 to index
        %get3A_889 = arith.index_cast %add3A_768 : i32 to index
        %get3A_890 = arith.index_cast %mul3A_74 : i32 to index
        %get3A_891 = tpu.vector_load %arg6[%get3A_888, %get3A_889, %get3A_890] {strides = array<i32>} : memref<16x64x32xf32, #tpu.memory_space<vmem>>, vector<1x1x16xf32>,
        %get3A_892 = vector.shape_cast %get3A_891 : vector<1x1x16xf32> to vector<16xf32>
        %mul3A_893 = arith.mulf %exp3A_773, %get3A_892 : vector<16xf32>
        %add3A_894 = arith.addf %add3A_756, %mul3A_893 : vector<16xf32>
        %get3A_895 = arith.constant 15 : i32
        %get3A_896 = arith.index_cast %get3A_895 : i32 to index
        %get3A_897 = arith.index_cast %add3A_768 : i32 to index
        %get3A_898 = arith.index_cast %mul3A_74 : i32 to index
        %get3A_899 = tpu.vector_load %arg6[%get3A_896, %get3A_897, %get3A_898] {strides = array<i32>} : memref<16x64x32xf32, #tpu.memory_space<vmem>>, vector<1x1x16xf32>,
        %get3A_900 = vector.shape_cast %get3A_899 : vector<1x1x16xf32> to vector<16xf32>
        %mul3A_901 = arith.mulf %exp3A_773, %get3A_900 : vector<16xf32>
        %add3A_902 = arith.addf %add3A_764, %mul3A_901 : vector<16xf32>
        %mul3A_903 = arith.constant 8 : i32
        %mul3A_904 = arith.muli %scan3A_197, %mul3A_903 : i32
        %add3A_905 = arith.constant 5 : i32
        %add3A_906 = arith.addi %mul3A_904, %add3A_905 : i32
        %get3A_907 = arith.index_cast %add3A_906 : i32 to index
        %get3A_908 = arith.index_cast %mul3A_74 : i32 to index
        %get3A_909 = tpu.vector_load %arg5[%get3A_907, %get3A_908] {strides = array<i32>} : memref<64x32xf32, #tpu.memory_space<vmem>>, vector<1x16xf32>,
        %get3A_910 = vector.shape_cast %get3A_909 : vector<1x16xf32> to vector<16xf32>
        %exp3A_911 = math.exp %get3A_910 : vector<16xf32>
        %add3A_912 = arith.addf %add3A_774, %exp3A_911 : vector<16xf32>
        %get3A_913 = arith.constant 0 : i32
        %get3A_914 = arith.index_cast %get3A_913 : i32 to index
        %get3A_915 = arith.index_cast %add3A_906 : i32 to index
        %get3A_916 = arith.index_cast %mul3A_74 : i32 to index
        %get3A_917 = tpu.vector_load %arg6[%get3A_914, %get3A_915, %get3A_916] {strides = array<i32>} : memref<16x64x32xf32, #tpu.memory_space<vmem>>, vector<1x1x16xf32>,
        %get3A_918 = vector.shape_cast %get3A_917 : vector<1x1x16xf32> to vector<16xf32>
        %mul3A_919 = arith.mulf %exp3A_911, %get3A_918 : vector<16xf32>
        %add3A_920 = arith.addf %add3A_782, %mul3A_919 : vector<16xf32>
        %get3A_921 = arith.constant 1 : i32
        %get3A_922 = arith.index_cast %get3A_921 : i32 to index
        %get3A_923 = arith.index_cast %add3A_906 : i32 to index
        %get3A_924 = arith.index_cast %mul3A_74 : i32 to index
        %get3A_925 = tpu.vector_load %arg6[%get3A_922, %get3A_923, %get3A_924] {strides = array<i32>} : memref<16x64x32xf32, #tpu.memory_space<vmem>>, vector<1x1x16xf32>,
        %get3A_926 = vector.shape_cast %get3A_925 : vector<1x1x16xf32> to vector<16xf32>
        %mul3A_927 = arith.mulf %exp3A_911, %get3A_926 : vector<16xf32>
        %add3A_928 = arith.addf %add3A_790, %mul3A_927 : vector<16xf32>
        %get3A_929 = arith.constant 2 : i32
        %get3A_930 = arith.index_cast %get3A_929 : i32 to index
        %get3A_931 = arith.index_cast %add3A_906 : i32 to index
        %get3A_932 = arith.index_cast %mul3A_74 : i32 to index
        %get3A_933 = tpu.vector_load %arg6[%get3A_930, %get3A_931, %get3A_932] {strides = array<i32>} : memref<16x64x32xf32, #tpu.memory_space<vmem>>, vector<1x1x16xf32>,
        %get3A_934 = vector.shape_cast %get3A_933 : vector<1x1x16xf32> to vector<16xf32>
        %mul3A_935 = arith.mulf %exp3A_911, %get3A_934 : vector<16xf32>
        %add3A_936 = arith.addf %add3A_798, %mul3A_935 : vector<16xf32>
        %get3A_937 = arith.constant 3 : i32
        %get3A_938 = arith.index_cast %get3A_937 : i32 to index
        %get3A_939 = arith.index_cast %add3A_906 : i32 to index
        %get3A_940 = arith.index_cast %mul3A_74 : i32 to index
        %get3A_941 = tpu.vector_load %arg6[%get3A_938, %get3A_939, %get3A_940] {strides = array<i32>} : memref<16x64x32xf32, #tpu.memory_space<vmem>>, vector<1x1x16xf32>,
        %get3A_942 = vector.shape_cast %get3A_941 : vector<1x1x16xf32> to vector<16xf32>
        %mul3A_943 = arith.mulf %exp3A_911, %get3A_942 : vector<16xf32>
        %add3A_944 = arith.addf %add3A_806, %mul3A_943 : vector<16xf32>
        %get3A_945 = arith.constant 4 : i32
        %get3A_946 = arith.index_cast %get3A_945 : i32 to index
        %get3A_947 = arith.index_cast %add3A_906 : i32 to index
        %get3A_948 = arith.index_cast %mul3A_74 : i32 to index
        %get3A_949 = tpu.vector_load %arg6[%get3A_946, %get3A_947, %get3A_948] {strides = array<i32>} : memref<16x64x32xf32, #tpu.memory_space<vmem>>, vector<1x1x16xf32>,
        %get3A_950 = vector.shape_cast %get3A_949 : vector<1x1x16xf32> to vector<16xf32>
        %mul3A_951 = arith.mulf %exp3A_911, %get3A_950 : vector<16xf32>
        %add3A_952 = arith.addf %add3A_814, %mul3A_951 : vector<16xf32>
        %get3A_953 = arith.constant 5 : i32
        %get3A_954 = arith.index_cast %get3A_953 : i32 to index
        %get3A_955 = arith.index_cast %add3A_906 : i32 to index
        %get3A_956 = arith.index_cast %mul3A_74 : i32 to index
        %get3A_957 = tpu.vector_load %arg6[%get3A_954, %get3A_955, %get3A_956] {strides = array<i32>} : memref<16x64x32xf32, #tpu.memory_space<vmem>>, vector<1x1x16xf32>,
        %get3A_958 = vector.shape_cast %get3A_957 : vector<1x1x16xf32> to vector<16xf32>
        %mul3A_959 = arith.mulf %exp3A_911, %get3A_958 : vector<16xf32>
        %add3A_960 = arith.addf %add3A_822, %mul3A_959 : vector<16xf32>
        %get3A_961 = arith.constant 6 : i32
        %get3A_962 = arith.index_cast %get3A_961 : i32 to index
        %get3A_963 = arith.index_cast %add3A_906 : i32 to index
        %get3A_964 = arith.index_cast %mul3A_74 : i32 to index
        %get3A_965 = tpu.vector_load %arg6[%get3A_962, %get3A_963, %get3A_964] {strides = array<i32>} : memref<16x64x32xf32, #tpu.memory_space<vmem>>, vector<1x1x16xf32>,
        %get3A_966 = vector.shape_cast %get3A_965 : vector<1x1x16xf32> to vector<16xf32>
        %mul3A_967 = arith.mulf %exp3A_911, %get3A_966 : vector<16xf32>
        %add3A_968 = arith.addf %add3A_830, %mul3A_967 : vector<16xf32>
        %get3A_969 = arith.constant 7 : i32
        %get3A_970 = arith.index_cast %get3A_969 : i32 to index
        %get3A_971 = arith.index_cast %add3A_906 : i32 to index
        %get3A_972 = arith.index_cast %mul3A_74 : i32 to index
        %get3A_973 = tpu.vector_load %arg6[%get3A_970, %get3A_971, %get3A_972] {strides = array<i32>} : memref<16x64x32xf32, #tpu.memory_space<vmem>>, vector<1x1x16xf32>,
        %get3A_974 = vector.shape_cast %get3A_973 : vector<1x1x16xf32> to vector<16xf32>
        %mul3A_975 = arith.mulf %exp3A_911, %get3A_974 : vector<16xf32>
        %add3A_976 = arith.addf %add3A_838, %mul3A_975 : vector<16xf32>
        %get3A_977 = arith.constant 8 : i32
        %get3A_978 = arith.index_cast %get3A_977 : i32 to index
        %get3A_979 = arith.index_cast %add3A_906 : i32 to index
        %get3A_980 = arith.index_cast %mul3A_74 : i32 to index
        %get3A_981 = tpu.vector_load %arg6[%get3A_978, %get3A_979, %get3A_980] {strides = array<i32>} : memref<16x64x32xf32, #tpu.memory_space<vmem>>, vector<1x1x16xf32>,
        %get3A_982 = vector.shape_cast %get3A_981 : vector<1x1x16xf32> to vector<16xf32>
        %mul3A_983 = arith.mulf %exp3A_911, %get3A_982 : vector<16xf32>
        %add3A_984 = arith.addf %add3A_846, %mul3A_983 : vector<16xf32>
        %get3A_985 = arith.constant 9 : i32
        %get3A_986 = arith.index_cast %get3A_985 : i32 to index
        %get3A_987 = arith.index_cast %add3A_906 : i32 to index
        %get3A_988 = arith.index_cast %mul3A_74 : i32 to index
        %get3A_989 = tpu.vector_load %arg6[%get3A_986, %get3A_987, %get3A_988] {strides = array<i32>} : memref<16x64x32xf32, #tpu.memory_space<vmem>>, vector<1x1x16xf32>,
        %get3A_990 = vector.shape_cast %get3A_989 : vector<1x1x16xf32> to vector<16xf32>
        %mul3A_991 = arith.mulf %exp3A_911, %get3A_990 : vector<16xf32>
        %add3A_992 = arith.addf %add3A_854, %mul3A_991 : vector<16xf32>
        %get3A_993 = arith.constant 10 : i32
        %get3A_994 = arith.index_cast %get3A_993 : i32 to index
        %get3A_995 = arith.index_cast %add3A_906 : i32 to index
        %get3A_996 = arith.index_cast %mul3A_74 : i32 to index
        %get3A_997 = tpu.vector_load %arg6[%get3A_994, %get3A_995, %get3A_996] {strides = array<i32>} : memref<16x64x32xf32, #tpu.memory_space<vmem>>, vector<1x1x16xf32>,
        %get3A_998 = vector.shape_cast %get3A_997 : vector<1x1x16xf32> to vector<16xf32>
        %mul3A_999 = arith.mulf %exp3A_911, %get3A_998 : vector<16xf32>
        %add3A_1000 = arith.addf %add3A_862, %mul3A_999 : vector<16xf32>
        %get3A_1001 = arith.constant 11 : i32
        %get3A_1002 = arith.index_cast %get3A_1001 : i32 to index
        %get3A_1003 = arith.index_cast %add3A_906 : i32 to index
        %get3A_1004 = arith.index_cast %mul3A_74 : i32 to index
        %get3A_1005 = tpu.vector_load %arg6[%get3A_1002, %get3A_1003, %get3A_1004] {strides = array<i32>} : memref<16x64x32xf32, #tpu.memory_space<vmem>>, vector<1x1x16xf32>,
        %get3A_1006 = vector.shape_cast %get3A_1005 : vector<1x1x16xf32> to vector<16xf32>
        %mul3A_1007 = arith.mulf %exp3A_911, %get3A_1006 : vector<16xf32>
        %add3A_1008 = arith.addf %add3A_870, %mul3A_1007 : vector<16xf32>
        %get3A_1009 = arith.constant 12 : i32
        %get3A_1010 = arith.index_cast %get3A_1009 : i32 to index
        %get3A_1011 = arith.index_cast %add3A_906 : i32 to index
        %get3A_1012 = arith.index_cast %mul3A_74 : i32 to index
        %get3A_1013 = tpu.vector_load %arg6[%get3A_1010, %get3A_1011, %get3A_1012] {strides = array<i32>} : memref<16x64x32xf32, #tpu.memory_space<vmem>>, vector<1x1x16xf32>,
        %get3A_1014 = vector.shape_cast %get3A_1013 : vector<1x1x16xf32> to vector<16xf32>
        %mul3A_1015 = arith.mulf %exp3A_911, %get3A_1014 : vector<16xf32>
        %add3A_1016 = arith.addf %add3A_878, %mul3A_1015 : vector<16xf32>
        %get3A_1017 = arith.constant 13 : i32
        %get3A_1018 = arith.index_cast %get3A_1017 : i32 to index
        %get3A_1019 = arith.index_cast %add3A_906 : i32 to index
        %get3A_1020 = arith.index_cast %mul3A_74 : i32 to index
        %get3A_1021 = tpu.vector_load %arg6[%get3A_1018, %get3A_1019, %get3A_1020] {strides = array<i32>} : memref<16x64x32xf32, #tpu.memory_space<vmem>>, vector<1x1x16xf32>,
        %get3A_1022 = vector.shape_cast %get3A_1021 : vector<1x1x16xf32> to vector<16xf32>
        %mul3A_1023 = arith.mulf %exp3A_911, %get3A_1022 : vector<16xf32>
        %add3A_1024 = arith.addf %add3A_886, %mul3A_1023 : vector<16xf32>
        %get3A_1025 = arith.constant 14 : i32
        %get3A_1026 = arith.index_cast %get3A_1025 : i32 to index
        %get3A_1027 = arith.index_cast %add3A_906 : i32 to index
        %get3A_1028 = arith.index_cast %mul3A_74 : i32 to index
        %get3A_1029 = tpu.vector_load %arg6[%get3A_1026, %get3A_1027, %get3A_1028] {strides = array<i32>} : memref<16x64x32xf32, #tpu.memory_space<vmem>>, vector<1x1x16xf32>,
        %get3A_1030 = vector.shape_cast %get3A_1029 : vector<1x1x16xf32> to vector<16xf32>
        %mul3A_1031 = arith.mulf %exp3A_911, %get3A_1030 : vector<16xf32>
        %add3A_1032 = arith.addf %add3A_894, %mul3A_1031 : vector<16xf32>
        %get3A_1033 = arith.constant 15 : i32
        %get3A_1034 = arith.index_cast %get3A_1033 : i32 to index
        %get3A_1035 = arith.index_cast %add3A_906 : i32 to index
        %get3A_1036 = arith.index_cast %mul3A_74 : i32 to index
        %get3A_1037 = tpu.vector_load %arg6[%get3A_1034, %get3A_1035, %get3A_1036] {strides = array<i32>} : memref<16x64x32xf32, #tpu.memory_space<vmem>>, vector<1x1x16xf32>,
        %get3A_1038 = vector.shape_cast %get3A_1037 : vector<1x1x16xf32> to vector<16xf32>
        %mul3A_1039 = arith.mulf %exp3A_911, %get3A_1038 : vector<16xf32>
        %add3A_1040 = arith.addf %add3A_902, %mul3A_1039 : vector<16xf32>
        %mul3A_1041 = arith.constant 8 : i32
        %mul3A_1042 = arith.muli %scan3A_197, %mul3A_1041 : i32
        %add3A_1043 = arith.constant 6 : i32
        %add3A_1044 = arith.addi %mul3A_1042, %add3A_1043 : i32
        %get3A_1045 = arith.index_cast %add3A_1044 : i32 to index
        %get3A_1046 = arith.index_cast %mul3A_74 : i32 to index
        %get3A_1047 = tpu.vector_load %arg5[%get3A_1045, %get3A_1046] {strides = array<i32>} : memref<64x32xf32, #tpu.memory_space<vmem>>, vector<1x16xf32>,
        %get3A_1048 = vector.shape_cast %get3A_1047 : vector<1x16xf32> to vector<16xf32>
        %exp3A_1049 = math.exp %get3A_1048 : vector<16xf32>
        %add3A_1050 = arith.addf %add3A_912, %exp3A_1049 : vector<16xf32>
        %get3A_1051 = arith.constant 0 : i32
        %get3A_1052 = arith.index_cast %get3A_1051 : i32 to index
        %get3A_1053 = arith.index_cast %add3A_1044 : i32 to index
        %get3A_1054 = arith.index_cast %mul3A_74 : i32 to index
        %get3A_1055 = tpu.vector_load %arg6[%get3A_1052, %get3A_1053, %get3A_1054] {strides = array<i32>} : memref<16x64x32xf32, #tpu.memory_space<vmem>>, vector<1x1x16xf32>,
        %get3A_1056 = vector.shape_cast %get3A_1055 : vector<1x1x16xf32> to vector<16xf32>
        %mul3A_1057 = arith.mulf %exp3A_1049, %get3A_1056 : vector<16xf32>
        %add3A_1058 = arith.addf %add3A_920, %mul3A_1057 : vector<16xf32>
        %get3A_1059 = arith.constant 1 : i32
        %get3A_1060 = arith.index_cast %get3A_1059 : i32 to index
        %get3A_1061 = arith.index_cast %add3A_1044 : i32 to index
        %get3A_1062 = arith.index_cast %mul3A_74 : i32 to index
        %get3A_1063 = tpu.vector_load %arg6[%get3A_1060, %get3A_1061, %get3A_1062] {strides = array<i32>} : memref<16x64x32xf32, #tpu.memory_space<vmem>>, vector<1x1x16xf32>,
        %get3A_1064 = vector.shape_cast %get3A_1063 : vector<1x1x16xf32> to vector<16xf32>
        %mul3A_1065 = arith.mulf %exp3A_1049, %get3A_1064 : vector<16xf32>
        %add3A_1066 = arith.addf %add3A_928, %mul3A_1065 : vector<16xf32>
        %get3A_1067 = arith.constant 2 : i32
        %get3A_1068 = arith.index_cast %get3A_1067 : i32 to index
        %get3A_1069 = arith.index_cast %add3A_1044 : i32 to index
        %get3A_1070 = arith.index_cast %mul3A_74 : i32 to index
        %get3A_1071 = tpu.vector_load %arg6[%get3A_1068, %get3A_1069, %get3A_1070] {strides = array<i32>} : memref<16x64x32xf32, #tpu.memory_space<vmem>>, vector<1x1x16xf32>,
        %get3A_1072 = vector.shape_cast %get3A_1071 : vector<1x1x16xf32> to vector<16xf32>
        %mul3A_1073 = arith.mulf %exp3A_1049, %get3A_1072 : vector<16xf32>
        %add3A_1074 = arith.addf %add3A_936, %mul3A_1073 : vector<16xf32>
        %get3A_1075 = arith.constant 3 : i32
        %get3A_1076 = arith.index_cast %get3A_1075 : i32 to index
        %get3A_1077 = arith.index_cast %add3A_1044 : i32 to index
        %get3A_1078 = arith.index_cast %mul3A_74 : i32 to index
        %get3A_1079 = tpu.vector_load %arg6[%get3A_1076, %get3A_1077, %get3A_1078] {strides = array<i32>} : memref<16x64x32xf32, #tpu.memory_space<vmem>>, vector<1x1x16xf32>,
        %get3A_1080 = vector.shape_cast %get3A_1079 : vector<1x1x16xf32> to vector<16xf32>
        %mul3A_1081 = arith.mulf %exp3A_1049, %get3A_1080 : vector<16xf32>
        %add3A_1082 = arith.addf %add3A_944, %mul3A_1081 : vector<16xf32>
        %get3A_1083 = arith.constant 4 : i32
        %get3A_1084 = arith.index_cast %get3A_1083 : i32 to index
        %get3A_1085 = arith.index_cast %add3A_1044 : i32 to index
        %get3A_1086 = arith.index_cast %mul3A_74 : i32 to index
        %get3A_1087 = tpu.vector_load %arg6[%get3A_1084, %get3A_1085, %get3A_1086] {strides = array<i32>} : memref<16x64x32xf32, #tpu.memory_space<vmem>>, vector<1x1x16xf32>,
        %get3A_1088 = vector.shape_cast %get3A_1087 : vector<1x1x16xf32> to vector<16xf32>
        %mul3A_1089 = arith.mulf %exp3A_1049, %get3A_1088 : vector<16xf32>
        %add3A_1090 = arith.addf %add3A_952, %mul3A_1089 : vector<16xf32>
        %get3A_1091 = arith.constant 5 : i32
        %get3A_1092 = arith.index_cast %get3A_1091 : i32 to index
        %get3A_1093 = arith.index_cast %add3A_1044 : i32 to index
        %get3A_1094 = arith.index_cast %mul3A_74 : i32 to index
        %get3A_1095 = tpu.vector_load %arg6[%get3A_1092, %get3A_1093, %get3A_1094] {strides = array<i32>} : memref<16x64x32xf32, #tpu.memory_space<vmem>>, vector<1x1x16xf32>,
        %get3A_1096 = vector.shape_cast %get3A_1095 : vector<1x1x16xf32> to vector<16xf32>
        %mul3A_1097 = arith.mulf %exp3A_1049, %get3A_1096 : vector<16xf32>
        %add3A_1098 = arith.addf %add3A_960, %mul3A_1097 : vector<16xf32>
        %get3A_1099 = arith.constant 6 : i32
        %get3A_1100 = arith.index_cast %get3A_1099 : i32 to index
        %get3A_1101 = arith.index_cast %add3A_1044 : i32 to index
        %get3A_1102 = arith.index_cast %mul3A_74 : i32 to index
        %get3A_1103 = tpu.vector_load %arg6[%get3A_1100, %get3A_1101, %get3A_1102] {strides = array<i32>} : memref<16x64x32xf32, #tpu.memory_space<vmem>>, vector<1x1x16xf32>,
        %get3A_1104 = vector.shape_cast %get3A_1103 : vector<1x1x16xf32> to vector<16xf32>
        %mul3A_1105 = arith.mulf %exp3A_1049, %get3A_1104 : vector<16xf32>
        %add3A_1106 = arith.addf %add3A_968, %mul3A_1105 : vector<16xf32>
        %get3A_1107 = arith.constant 7 : i32
        %get3A_1108 = arith.index_cast %get3A_1107 : i32 to index
        %get3A_1109 = arith.index_cast %add3A_1044 : i32 to index
        %get3A_1110 = arith.index_cast %mul3A_74 : i32 to index
        %get3A_1111 = tpu.vector_load %arg6[%get3A_1108, %get3A_1109, %get3A_1110] {strides = array<i32>} : memref<16x64x32xf32, #tpu.memory_space<vmem>>, vector<1x1x16xf32>,
        %get3A_1112 = vector.shape_cast %get3A_1111 : vector<1x1x16xf32> to vector<16xf32>
        %mul3A_1113 = arith.mulf %exp3A_1049, %get3A_1112 : vector<16xf32>
        %add3A_1114 = arith.addf %add3A_976, %mul3A_1113 : vector<16xf32>
        %get3A_1115 = arith.constant 8 : i32
        %get3A_1116 = arith.index_cast %get3A_1115 : i32 to index
        %get3A_1117 = arith.index_cast %add3A_1044 : i32 to index
        %get3A_1118 = arith.index_cast %mul3A_74 : i32 to index
        %get3A_1119 = tpu.vector_load %arg6[%get3A_1116, %get3A_1117, %get3A_1118] {strides = array<i32>} : memref<16x64x32xf32, #tpu.memory_space<vmem>>, vector<1x1x16xf32>,
        %get3A_1120 = vector.shape_cast %get3A_1119 : vector<1x1x16xf32> to vector<16xf32>
        %mul3A_1121 = arith.mulf %exp3A_1049, %get3A_1120 : vector<16xf32>
        %add3A_1122 = arith.addf %add3A_984, %mul3A_1121 : vector<16xf32>
        %get3A_1123 = arith.constant 9 : i32
        %get3A_1124 = arith.index_cast %get3A_1123 : i32 to index
        %get3A_1125 = arith.index_cast %add3A_1044 : i32 to index
        %get3A_1126 = arith.index_cast %mul3A_74 : i32 to index
        %get3A_1127 = tpu.vector_load %arg6[%get3A_1124, %get3A_1125, %get3A_1126] {strides = array<i32>} : memref<16x64x32xf32, #tpu.memory_space<vmem>>, vector<1x1x16xf32>,
        %get3A_1128 = vector.shape_cast %get3A_1127 : vector<1x1x16xf32> to vector<16xf32>
        %mul3A_1129 = arith.mulf %exp3A_1049, %get3A_1128 : vector<16xf32>
        %add3A_1130 = arith.addf %add3A_992, %mul3A_1129 : vector<16xf32>
        %get3A_1131 = arith.constant 10 : i32
        %get3A_1132 = arith.index_cast %get3A_1131 : i32 to index
        %get3A_1133 = arith.index_cast %add3A_1044 : i32 to index
        %get3A_1134 = arith.index_cast %mul3A_74 : i32 to index
        %get3A_1135 = tpu.vector_load %arg6[%get3A_1132, %get3A_1133, %get3A_1134] {strides = array<i32>} : memref<16x64x32xf32, #tpu.memory_space<vmem>>, vector<1x1x16xf32>,
        %get3A_1136 = vector.shape_cast %get3A_1135 : vector<1x1x16xf32> to vector<16xf32>
        %mul3A_1137 = arith.mulf %exp3A_1049, %get3A_1136 : vector<16xf32>
        %add3A_1138 = arith.addf %add3A_1000, %mul3A_1137 : vector<16xf32>
        %get3A_1139 = arith.constant 11 : i32
        %get3A_1140 = arith.index_cast %get3A_1139 : i32 to index
        %get3A_1141 = arith.index_cast %add3A_1044 : i32 to index
        %get3A_1142 = arith.index_cast %mul3A_74 : i32 to index
        %get3A_1143 = tpu.vector_load %arg6[%get3A_1140, %get3A_1141, %get3A_1142] {strides = array<i32>} : memref<16x64x32xf32, #tpu.memory_space<vmem>>, vector<1x1x16xf32>,
        %get3A_1144 = vector.shape_cast %get3A_1143 : vector<1x1x16xf32> to vector<16xf32>
        %mul3A_1145 = arith.mulf %exp3A_1049, %get3A_1144 : vector<16xf32>
        %add3A_1146 = arith.addf %add3A_1008, %mul3A_1145 : vector<16xf32>
        %get3A_1147 = arith.constant 12 : i32
        %get3A_1148 = arith.index_cast %get3A_1147 : i32 to index
        %get3A_1149 = arith.index_cast %add3A_1044 : i32 to index
        %get3A_1150 = arith.index_cast %mul3A_74 : i32 to index
        %get3A_1151 = tpu.vector_load %arg6[%get3A_1148, %get3A_1149, %get3A_1150] {strides = array<i32>} : memref<16x64x32xf32, #tpu.memory_space<vmem>>, vector<1x1x16xf32>,
        %get3A_1152 = vector.shape_cast %get3A_1151 : vector<1x1x16xf32> to vector<16xf32>
        %mul3A_1153 = arith.mulf %exp3A_1049, %get3A_1152 : vector<16xf32>
        %add3A_1154 = arith.addf %add3A_1016, %mul3A_1153 : vector<16xf32>
        %get3A_1155 = arith.constant 13 : i32
        %get3A_1156 = arith.index_cast %get3A_1155 : i32 to index
        %get3A_1157 = arith.index_cast %add3A_1044 : i32 to index
        %get3A_1158 = arith.index_cast %mul3A_74 : i32 to index
        %get3A_1159 = tpu.vector_load %arg6[%get3A_1156, %get3A_1157, %get3A_1158] {strides = array<i32>} : memref<16x64x32xf32, #tpu.memory_space<vmem>>, vector<1x1x16xf32>,
        %get3A_1160 = vector.shape_cast %get3A_1159 : vector<1x1x16xf32> to vector<16xf32>
        %mul3A_1161 = arith.mulf %exp3A_1049, %get3A_1160 : vector<16xf32>
        %add3A_1162 = arith.addf %add3A_1024, %mul3A_1161 : vector<16xf32>
        %get3A_1163 = arith.constant 14 : i32
        %get3A_1164 = arith.index_cast %get3A_1163 : i32 to index
        %get3A_1165 = arith.index_cast %add3A_1044 : i32 to index
        %get3A_1166 = arith.index_cast %mul3A_74 : i32 to index
        %get3A_1167 = tpu.vector_load %arg6[%get3A_1164, %get3A_1165, %get3A_1166] {strides = array<i32>} : memref<16x64x32xf32, #tpu.memory_space<vmem>>, vector<1x1x16xf32>,
        %get3A_1168 = vector.shape_cast %get3A_1167 : vector<1x1x16xf32> to vector<16xf32>
        %mul3A_1169 = arith.mulf %exp3A_1049, %get3A_1168 : vector<16xf32>
        %add3A_1170 = arith.addf %add3A_1032, %mul3A_1169 : vector<16xf32>
        %get3A_1171 = arith.constant 15 : i32
        %get3A_1172 = arith.index_cast %get3A_1171 : i32 to index
        %get3A_1173 = arith.index_cast %add3A_1044 : i32 to index
        %get3A_1174 = arith.index_cast %mul3A_74 : i32 to index
        %get3A_1175 = tpu.vector_load %arg6[%get3A_1172, %get3A_1173, %get3A_1174] {strides = array<i32>} : memref<16x64x32xf32, #tpu.memory_space<vmem>>, vector<1x1x16xf32>,
        %get3A_1176 = vector.shape_cast %get3A_1175 : vector<1x1x16xf32> to vector<16xf32>
        %mul3A_1177 = arith.mulf %exp3A_1049, %get3A_1176 : vector<16xf32>
        %add3A_1178 = arith.addf %add3A_1040, %mul3A_1177 : vector<16xf32>
        %mul3A_1179 = arith.constant 8 : i32
        %mul3A_1180 = arith.muli %scan3A_197, %mul3A_1179 : i32
        %add3A_1181 = arith.constant 7 : i32
        %add3A_1182 = arith.addi %mul3A_1180, %add3A_1181 : i32
        %get3A_1183 = arith.index_cast %add3A_1182 : i32 to index
        %get3A_1184 = arith.index_cast %mul3A_74 : i32 to index
        %get3A_1185 = tpu.vector_load %arg5[%get3A_1183, %get3A_1184] {strides = array<i32>} : memref<64x32xf32, #tpu.memory_space<vmem>>, vector<1x16xf32>,
        %get3A_1186 = vector.shape_cast %get3A_1185 : vector<1x16xf32> to vector<16xf32>
        %exp3A_1187 = math.exp %get3A_1186 : vector<16xf32>
        %add3A_1188 = arith.addf %add3A_1050, %exp3A_1187 : vector<16xf32>
        %get3A_1189 = arith.constant 0 : i32
        %get3A_1190 = arith.index_cast %get3A_1189 : i32 to index
        %get3A_1191 = arith.index_cast %add3A_1182 : i32 to index
        %get3A_1192 = arith.index_cast %mul3A_74 : i32 to index
        %get3A_1193 = tpu.vector_load %arg6[%get3A_1190, %get3A_1191, %get3A_1192] {strides = array<i32>} : memref<16x64x32xf32, #tpu.memory_space<vmem>>, vector<1x1x16xf32>,
        %get3A_1194 = vector.shape_cast %get3A_1193 : vector<1x1x16xf32> to vector<16xf32>
        %mul3A_1195 = arith.mulf %exp3A_1187, %get3A_1194 : vector<16xf32>
        %add3A_1196 = arith.addf %add3A_1058, %mul3A_1195 : vector<16xf32>
        %get3A_1197 = arith.constant 1 : i32
        %get3A_1198 = arith.index_cast %get3A_1197 : i32 to index
        %get3A_1199 = arith.index_cast %add3A_1182 : i32 to index
        %get3A_1200 = arith.index_cast %mul3A_74 : i32 to index
        %get3A_1201 = tpu.vector_load %arg6[%get3A_1198, %get3A_1199, %get3A_1200] {strides = array<i32>} : memref<16x64x32xf32, #tpu.memory_space<vmem>>, vector<1x1x16xf32>,
        %get3A_1202 = vector.shape_cast %get3A_1201 : vector<1x1x16xf32> to vector<16xf32>
        %mul3A_1203 = arith.mulf %exp3A_1187, %get3A_1202 : vector<16xf32>
        %add3A_1204 = arith.addf %add3A_1066, %mul3A_1203 : vector<16xf32>
        %get3A_1205 = arith.constant 2 : i32
        %get3A_1206 = arith.index_cast %get3A_1205 : i32 to index
        %get3A_1207 = arith.index_cast %add3A_1182 : i32 to index
        %get3A_1208 = arith.index_cast %mul3A_74 : i32 to index
        %get3A_1209 = tpu.vector_load %arg6[%get3A_1206, %get3A_1207, %get3A_1208] {strides = array<i32>} : memref<16x64x32xf32, #tpu.memory_space<vmem>>, vector<1x1x16xf32>,
        %get3A_1210 = vector.shape_cast %get3A_1209 : vector<1x1x16xf32> to vector<16xf32>
        %mul3A_1211 = arith.mulf %exp3A_1187, %get3A_1210 : vector<16xf32>
        %add3A_1212 = arith.addf %add3A_1074, %mul3A_1211 : vector<16xf32>
        %get3A_1213 = arith.constant 3 : i32
        %get3A_1214 = arith.index_cast %get3A_1213 : i32 to index
        %get3A_1215 = arith.index_cast %add3A_1182 : i32 to index
        %get3A_1216 = arith.index_cast %mul3A_74 : i32 to index
        %get3A_1217 = tpu.vector_load %arg6[%get3A_1214, %get3A_1215, %get3A_1216] {strides = array<i32>} : memref<16x64x32xf32, #tpu.memory_space<vmem>>, vector<1x1x16xf32>,
        %get3A_1218 = vector.shape_cast %get3A_1217 : vector<1x1x16xf32> to vector<16xf32>
        %mul3A_1219 = arith.mulf %exp3A_1187, %get3A_1218 : vector<16xf32>
        %add3A_1220 = arith.addf %add3A_1082, %mul3A_1219 : vector<16xf32>
        %get3A_1221 = arith.constant 4 : i32
        %get3A_1222 = arith.index_cast %get3A_1221 : i32 to index
        %get3A_1223 = arith.index_cast %add3A_1182 : i32 to index
        %get3A_1224 = arith.index_cast %mul3A_74 : i32 to index
        %get3A_1225 = tpu.vector_load %arg6[%get3A_1222, %get3A_1223, %get3A_1224] {strides = array<i32>} : memref<16x64x32xf32, #tpu.memory_space<vmem>>, vector<1x1x16xf32>,
        %get3A_1226 = vector.shape_cast %get3A_1225 : vector<1x1x16xf32> to vector<16xf32>
        %mul3A_1227 = arith.mulf %exp3A_1187, %get3A_1226 : vector<16xf32>
        %add3A_1228 = arith.addf %add3A_1090, %mul3A_1227 : vector<16xf32>
        %get3A_1229 = arith.constant 5 : i32
        %get3A_1230 = arith.index_cast %get3A_1229 : i32 to index
        %get3A_1231 = arith.index_cast %add3A_1182 : i32 to index
        %get3A_1232 = arith.index_cast %mul3A_74 : i32 to index
        %get3A_1233 = tpu.vector_load %arg6[%get3A_1230, %get3A_1231, %get3A_1232] {strides = array<i32>} : memref<16x64x32xf32, #tpu.memory_space<vmem>>, vector<1x1x16xf32>,
        %get3A_1234 = vector.shape_cast %get3A_1233 : vector<1x1x16xf32> to vector<16xf32>
        %mul3A_1235 = arith.mulf %exp3A_1187, %get3A_1234 : vector<16xf32>
        %add3A_1236 = arith.addf %add3A_1098, %mul3A_1235 : vector<16xf32>
        %get3A_1237 = arith.constant 6 : i32
        %get3A_1238 = arith.index_cast %get3A_1237 : i32 to index
        %get3A_1239 = arith.index_cast %add3A_1182 : i32 to index
        %get3A_1240 = arith.index_cast %mul3A_74 : i32 to index
        %get3A_1241 = tpu.vector_load %arg6[%get3A_1238, %get3A_1239, %get3A_1240] {strides = array<i32>} : memref<16x64x32xf32, #tpu.memory_space<vmem>>, vector<1x1x16xf32>,
        %get3A_1242 = vector.shape_cast %get3A_1241 : vector<1x1x16xf32> to vector<16xf32>
        %mul3A_1243 = arith.mulf %exp3A_1187, %get3A_1242 : vector<16xf32>
        %add3A_1244 = arith.addf %add3A_1106, %mul3A_1243 : vector<16xf32>
        %get3A_1245 = arith.constant 7 : i32
        %get3A_1246 = arith.index_cast %get3A_1245 : i32 to index
        %get3A_1247 = arith.index_cast %add3A_1182 : i32 to index
        %get3A_1248 = arith.index_cast %mul3A_74 : i32 to index
        %get3A_1249 = tpu.vector_load %arg6[%get3A_1246, %get3A_1247, %get3A_1248] {strides = array<i32>} : memref<16x64x32xf32, #tpu.memory_space<vmem>>, vector<1x1x16xf32>,
        %get3A_1250 = vector.shape_cast %get3A_1249 : vector<1x1x16xf32> to vector<16xf32>
        %mul3A_1251 = arith.mulf %exp3A_1187, %get3A_1250 : vector<16xf32>
        %add3A_1252 = arith.addf %add3A_1114, %mul3A_1251 : vector<16xf32>
        %get3A_1253 = arith.constant 8 : i32
        %get3A_1254 = arith.index_cast %get3A_1253 : i32 to index
        %get3A_1255 = arith.index_cast %add3A_1182 : i32 to index
        %get3A_1256 = arith.index_cast %mul3A_74 : i32 to index
        %get3A_1257 = tpu.vector_load %arg6[%get3A_1254, %get3A_1255, %get3A_1256] {strides = array<i32>} : memref<16x64x32xf32, #tpu.memory_space<vmem>>, vector<1x1x16xf32>,
        %get3A_1258 = vector.shape_cast %get3A_1257 : vector<1x1x16xf32> to vector<16xf32>
        %mul3A_1259 = arith.mulf %exp3A_1187, %get3A_1258 : vector<16xf32>
        %add3A_1260 = arith.addf %add3A_1122, %mul3A_1259 : vector<16xf32>
        %get3A_1261 = arith.constant 9 : i32
        %get3A_1262 = arith.index_cast %get3A_1261 : i32 to index
        %get3A_1263 = arith.index_cast %add3A_1182 : i32 to index
        %get3A_1264 = arith.index_cast %mul3A_74 : i32 to index
        %get3A_1265 = tpu.vector_load %arg6[%get3A_1262, %get3A_1263, %get3A_1264] {strides = array<i32>} : memref<16x64x32xf32, #tpu.memory_space<vmem>>, vector<1x1x16xf32>,
        %get3A_1266 = vector.shape_cast %get3A_1265 : vector<1x1x16xf32> to vector<16xf32>
        %mul3A_1267 = arith.mulf %exp3A_1187, %get3A_1266 : vector<16xf32>
        %add3A_1268 = arith.addf %add3A_1130, %mul3A_1267 : vector<16xf32>
        %get3A_1269 = arith.constant 10 : i32
        %get3A_1270 = arith.index_cast %get3A_1269 : i32 to index
        %get3A_1271 = arith.index_cast %add3A_1182 : i32 to index
        %get3A_1272 = arith.index_cast %mul3A_74 : i32 to index
        %get3A_1273 = tpu.vector_load %arg6[%get3A_1270, %get3A_1271, %get3A_1272] {strides = array<i32>} : memref<16x64x32xf32, #tpu.memory_space<vmem>>, vector<1x1x16xf32>,
        %get3A_1274 = vector.shape_cast %get3A_1273 : vector<1x1x16xf32> to vector<16xf32>
        %mul3A_1275 = arith.mulf %exp3A_1187, %get3A_1274 : vector<16xf32>
        %add3A_1276 = arith.addf %add3A_1138, %mul3A_1275 : vector<16xf32>
        %get3A_1277 = arith.constant 11 : i32
        %get3A_1278 = arith.index_cast %get3A_1277 : i32 to index
        %get3A_1279 = arith.index_cast %add3A_1182 : i32 to index
        %get3A_1280 = arith.index_cast %mul3A_74 : i32 to index
        %get3A_1281 = tpu.vector_load %arg6[%get3A_1278, %get3A_1279, %get3A_1280] {strides = array<i32>} : memref<16x64x32xf32, #tpu.memory_space<vmem>>, vector<1x1x16xf32>,
        %get3A_1282 = vector.shape_cast %get3A_1281 : vector<1x1x16xf32> to vector<16xf32>
        %mul3A_1283 = arith.mulf %exp3A_1187, %get3A_1282 : vector<16xf32>
        %add3A_1284 = arith.addf %add3A_1146, %mul3A_1283 : vector<16xf32>
        %get3A_1285 = arith.constant 12 : i32
        %get3A_1286 = arith.index_cast %get3A_1285 : i32 to index
        %get3A_1287 = arith.index_cast %add3A_1182 : i32 to index
        %get3A_1288 = arith.index_cast %mul3A_74 : i32 to index
        %get3A_1289 = tpu.vector_load %arg6[%get3A_1286, %get3A_1287, %get3A_1288] {strides = array<i32>} : memref<16x64x32xf32, #tpu.memory_space<vmem>>, vector<1x1x16xf32>,
        %get3A_1290 = vector.shape_cast %get3A_1289 : vector<1x1x16xf32> to vector<16xf32>
        %mul3A_1291 = arith.mulf %exp3A_1187, %get3A_1290 : vector<16xf32>
        %add3A_1292 = arith.addf %add3A_1154, %mul3A_1291 : vector<16xf32>
        %get3A_1293 = arith.constant 13 : i32
        %get3A_1294 = arith.index_cast %get3A_1293 : i32 to index
        %get3A_1295 = arith.index_cast %add3A_1182 : i32 to index
        %get3A_1296 = arith.index_cast %mul3A_74 : i32 to index
        %get3A_1297 = tpu.vector_load %arg6[%get3A_1294, %get3A_1295, %get3A_1296] {strides = array<i32>} : memref<16x64x32xf32, #tpu.memory_space<vmem>>, vector<1x1x16xf32>,
        %get3A_1298 = vector.shape_cast %get3A_1297 : vector<1x1x16xf32> to vector<16xf32>
        %mul3A_1299 = arith.mulf %exp3A_1187, %get3A_1298 : vector<16xf32>
        %add3A_1300 = arith.addf %add3A_1162, %mul3A_1299 : vector<16xf32>
        %get3A_1301 = arith.constant 14 : i32
        %get3A_1302 = arith.index_cast %get3A_1301 : i32 to index
        %get3A_1303 = arith.index_cast %add3A_1182 : i32 to index
        %get3A_1304 = arith.index_cast %mul3A_74 : i32 to index
        %get3A_1305 = tpu.vector_load %arg6[%get3A_1302, %get3A_1303, %get3A_1304] {strides = array<i32>} : memref<16x64x32xf32, #tpu.memory_space<vmem>>, vector<1x1x16xf32>,
        %get3A_1306 = vector.shape_cast %get3A_1305 : vector<1x1x16xf32> to vector<16xf32>
        %mul3A_1307 = arith.mulf %exp3A_1187, %get3A_1306 : vector<16xf32>
        %add3A_1308 = arith.addf %add3A_1170, %mul3A_1307 : vector<16xf32>
        %get3A_1309 = arith.constant 15 : i32
        %get3A_1310 = arith.index_cast %get3A_1309 : i32 to index
        %get3A_1311 = arith.index_cast %add3A_1182 : i32 to index
        %get3A_1312 = arith.index_cast %mul3A_74 : i32 to index
        %get3A_1313 = tpu.vector_load %arg6[%get3A_1310, %get3A_1311, %get3A_1312] {strides = array<i32>} : memref<16x64x32xf32, #tpu.memory_space<vmem>>, vector<1x1x16xf32>,
        %get3A_1314 = vector.shape_cast %get3A_1313 : vector<1x1x16xf32> to vector<16xf32>
        %mul3A_1315 = arith.mulf %exp3A_1187, %get3A_1314 : vector<16xf32>
        %add3A_1316 = arith.addf %add3A_1178, %mul3A_1315 : vector<16xf32>
        scf.yield %add3A_1188, %add3A_1196, %add3A_1204, %add3A_1212, %add3A_1220, %add3A_1228, %add3A_1236, %add3A_1244, %add3A_1252, %add3A_1260, %add3A_1268, %add3A_1276, %add3A_1284, %add3A_1292, %add3A_1300, %add3A_1308, %add3A_1316 : vector<16xf32>, vector<16xf32>, vector<16xf32>, vector<16xf32>, vector<16xf32>, vector<16xf32>, vector<16xf32>, vector<16xf32>, vector<16xf32>, vector<16xf32>, vector<16xf32>, vector<16xf32>, vector<16xf32>, vector<16xf32>, vector<16xf32>, vector<16xf32>, vector<16xf32>
      }
      %scan3A_81 = arith.constant 8 : i32
      %div3A_82 = arith.constant 1.000000e+00 : f32
      %div3A_83 = vector.broadcast %div3A_82 : f32 to vector<16xf32>
      %div3A_84 = arith.divf %div3A_83, %scan3A_80#0 : vector<16xf32>
      %mul3A_85 = arith.mulf %scan3A_80#1, %div3A_84 : vector<16xf32>
      %swap3A = arith.constant 0 : i32
      %swap3A_86 = arith.index_cast %swap3A : i32 to index
      %swap3A_87 = arith.index_cast %mul3A_74 : i32 to index
      %swap3A_88 = tpu.vector_load %arg7[%swap3A_86, %swap3A_87] {strides = array<i32>} : memref<16x32xf32, #tpu.memory_space<vmem>>, vector<1x16xf32>,
      %swap3A_89 = vector.shape_cast %swap3A_88 : vector<1x16xf32> to vector<16xf32>
      %swap3A_90 = vector.shape_cast %mul3A_85 : vector<16xf32> to vector<1x16xf32>
      tpu.vector_store %arg7[%swap3A_86, %swap3A_87], %swap3A_90 {strides = array<i32>} : memref<16x32xf32, #tpu.memory_space<vmem>>, vector<1x16xf32>,
      %mul3A_91 = arith.mulf %scan3A_80#2, %div3A_84 : vector<16xf32>
      %swap3A_92 = arith.constant 1 : i32
      %swap3A_93 = arith.index_cast %swap3A_92 : i32 to index
      %swap3A_94 = arith.index_cast %mul3A_74 : i32 to index
      %swap3A_95 = tpu.vector_load %arg7[%swap3A_93, %swap3A_94] {strides = array<i32>} : memref<16x32xf32, #tpu.memory_space<vmem>>, vector<1x16xf32>,
      %swap3A_96 = vector.shape_cast %swap3A_95 : vector<1x16xf32> to vector<16xf32>
      %swap3A_97 = vector.shape_cast %mul3A_91 : vector<16xf32> to vector<1x16xf32>
      tpu.vector_store %arg7[%swap3A_93, %swap3A_94], %swap3A_97 {strides = array<i32>} : memref<16x32xf32, #tpu.memory_space<vmem>>, vector<1x16xf32>,
      %mul3A_98 = arith.mulf %scan3A_80#3, %div3A_84 : vector<16xf32>
      %swap3A_99 = arith.constant 2 : i32
      %swap3A_100 = arith.index_cast %swap3A_99 : i32 to index
      %swap3A_101 = arith.index_cast %mul3A_74 : i32 to index
      %swap3A_102 = tpu.vector_load %arg7[%swap3A_100, %swap3A_101] {strides = array<i32>} : memref<16x32xf32, #tpu.memory_space<vmem>>, vector<1x16xf32>,
      %swap3A_103 = vector.shape_cast %swap3A_102 : vector<1x16xf32> to vector<16xf32>
      %swap3A_104 = vector.shape_cast %mul3A_98 : vector<16xf32> to vector<1x16xf32>
      tpu.vector_store %arg7[%swap3A_100, %swap3A_101], %swap3A_104 {strides = array<i32>} : memref<16x32xf32, #tpu.memory_space<vmem>>, vector<1x16xf32>,
      %mul3A_105 = arith.mulf %scan3A_80#4, %div3A_84 : vector<16xf32>
      %swap3A_106 = arith.constant 3 : i32
      %swap3A_107 = arith.index_cast %swap3A_106 : i32 to index
      %swap3A_108 = arith.index_cast %mul3A_74 : i32 to index
      %swap3A_109 = tpu.vector_load %arg7[%swap3A_107, %swap3A_108] {strides = array<i32>} : memref<16x32xf32, #tpu.memory_space<vmem>>, vector<1x16xf32>,
      %swap3A_110 = vector.shape_cast %swap3A_109 : vector<1x16xf32> to vector<16xf32>
      %swap3A_111 = vector.shape_cast %mul3A_105 : vector<16xf32> to vector<1x16xf32>
      tpu.vector_store %arg7[%swap3A_107, %swap3A_108], %swap3A_111 {strides = array<i32>} : memref<16x32xf32, #tpu.memory_space<vmem>>, vector<1x16xf32>,
      %mul3A_112 = arith.mulf %scan3A_80#5, %div3A_84 : vector<16xf32>
      %swap3A_113 = arith.constant 4 : i32
      %swap3A_114 = arith.index_cast %swap3A_113 : i32 to index
      %swap3A_115 = arith.index_cast %mul3A_74 : i32 to index
      %swap3A_116 = tpu.vector_load %arg7[%swap3A_114, %swap3A_115] {strides = array<i32>} : memref<16x32xf32, #tpu.memory_space<vmem>>, vector<1x16xf32>,
      %swap3A_117 = vector.shape_cast %swap3A_116 : vector<1x16xf32> to vector<16xf32>
      %swap3A_118 = vector.shape_cast %mul3A_112 : vector<16xf32> to vector<1x16xf32>
      tpu.vector_store %arg7[%swap3A_114, %swap3A_115], %swap3A_118 {strides = array<i32>} : memref<16x32xf32, #tpu.memory_space<vmem>>, vector<1x16xf32>,
      %mul3A_119 = arith.mulf %scan3A_80#6, %div3A_84 : vector<16xf32>
      %swap3A_120 = arith.constant 5 : i32
      %swap3A_121 = arith.index_cast %swap3A_120 : i32 to index
      %swap3A_122 = arith.index_cast %mul3A_74 : i32 to index
      %swap3A_123 = tpu.vector_load %arg7[%swap3A_121, %swap3A_122] {strides = array<i32>} : memref<16x32xf32, #tpu.memory_space<vmem>>, vector<1x16xf32>,
      %swap3A_124 = vector.shape_cast %swap3A_123 : vector<1x16xf32> to vector<16xf32>
      %swap3A_125 = vector.shape_cast %mul3A_119 : vector<16xf32> to vector<1x16xf32>
      tpu.vector_store %arg7[%swap3A_121, %swap3A_122], %swap3A_125 {strides = array<i32>} : memref<16x32xf32, #tpu.memory_space<vmem>>, vector<1x16xf32>,
      %mul3A_126 = arith.mulf %scan3A_80#7, %div3A_84 : vector<16xf32>
      %swap3A_127 = arith.constant 6 : i32
      %swap3A_128 = arith.index_cast %swap3A_127 : i32 to index
      %swap3A_129 = arith.index_cast %mul3A_74 : i32 to index
      %swap3A_130 = tpu.vector_load %arg7[%swap3A_128, %swap3A_129] {strides = array<i32>} : memref<16x32xf32, #tpu.memory_space<vmem>>, vector<1x16xf32>,
      %swap3A_131 = vector.shape_cast %swap3A_130 : vector<1x16xf32> to vector<16xf32>
      %swap3A_132 = vector.shape_cast %mul3A_126 : vector<16xf32> to vector<1x16xf32>
      tpu.vector_store %arg7[%swap3A_128, %swap3A_129], %swap3A_132 {strides = array<i32>} : memref<16x32xf32, #tpu.memory_space<vmem>>, vector<1x16xf32>,
      %mul3A_133 = arith.mulf %scan3A_80#8, %div3A_84 : vector<16xf32>
      %swap3A_134 = arith.constant 7 : i32
      %swap3A_135 = arith.index_cast %swap3A_134 : i32 to index
      %swap3A_136 = arith.index_cast %mul3A_74 : i32 to index
      %swap3A_137 = tpu.vector_load %arg7[%swap3A_135, %swap3A_136] {strides = array<i32>} : memref<16x32xf32, #tpu.memory_space<vmem>>, vector<1x16xf32>,
      %swap3A_138 = vector.shape_cast %swap3A_137 : vector<1x16xf32> to vector<16xf32>
      %swap3A_139 = vector.shape_cast %mul3A_133 : vector<16xf32> to vector<1x16xf32>
      tpu.vector_store %arg7[%swap3A_135, %swap3A_136], %swap3A_139 {strides = array<i32>} : memref<16x32xf32, #tpu.memory_space<vmem>>, vector<1x16xf32>,
      %mul3A_140 = arith.mulf %scan3A_80#9, %div3A_84 : vector<16xf32>
      %swap3A_141 = arith.constant 8 : i32
      %swap3A_142 = arith.index_cast %swap3A_141 : i32 to index
      %swap3A_143 = arith.index_cast %mul3A_74 : i32 to index
      %swap3A_144 = tpu.vector_load %arg7[%swap3A_142, %swap3A_143] {strides = array<i32>} : memref<16x32xf32, #tpu.memory_space<vmem>>, vector<1x16xf32>,
      %swap3A_145 = vector.shape_cast %swap3A_144 : vector<1x16xf32> to vector<16xf32>
      %swap3A_146 = vector.shape_cast %mul3A_140 : vector<16xf32> to vector<1x16xf32>
      tpu.vector_store %arg7[%swap3A_142, %swap3A_143], %swap3A_146 {strides = array<i32>} : memref<16x32xf32, #tpu.memory_space<vmem>>, vector<1x16xf32>,
      %mul3A_147 = arith.mulf %scan3A_80#10, %div3A_84 : vector<16xf32>
      %swap3A_148 = arith.constant 9 : i32
      %swap3A_149 = arith.index_cast %swap3A_148 : i32 to index
      %swap3A_150 = arith.index_cast %mul3A_74 : i32 to index
      %swap3A_151 = tpu.vector_load %arg7[%swap3A_149, %swap3A_150] {strides = array<i32>} : memref<16x32xf32, #tpu.memory_space<vmem>>, vector<1x16xf32>,
      %swap3A_152 = vector.shape_cast %swap3A_151 : vector<1x16xf32> to vector<16xf32>
      %swap3A_153 = vector.shape_cast %mul3A_147 : vector<16xf32> to vector<1x16xf32>
      tpu.vector_store %arg7[%swap3A_149, %swap3A_150], %swap3A_153 {strides = array<i32>} : memref<16x32xf32, #tpu.memory_space<vmem>>, vector<1x16xf32>,
      %mul3A_154 = arith.mulf %scan3A_80#11, %div3A_84 : vector<16xf32>
      %swap3A_155 = arith.constant 10 : i32
      %swap3A_156 = arith.index_cast %swap3A_155 : i32 to index
      %swap3A_157 = arith.index_cast %mul3A_74 : i32 to index
      %swap3A_158 = tpu.vector_load %arg7[%swap3A_156, %swap3A_157] {strides = array<i32>} : memref<16x32xf32, #tpu.memory_space<vmem>>, vector<1x16xf32>,
      %swap3A_159 = vector.shape_cast %swap3A_158 : vector<1x16xf32> to vector<16xf32>
      %swap3A_160 = vector.shape_cast %mul3A_154 : vector<16xf32> to vector<1x16xf32>
      tpu.vector_store %arg7[%swap3A_156, %swap3A_157], %swap3A_160 {strides = array<i32>} : memref<16x32xf32, #tpu.memory_space<vmem>>, vector<1x16xf32>,
      %mul3A_161 = arith.mulf %scan3A_80#12, %div3A_84 : vector<16xf32>
      %swap3A_162 = arith.constant 11 : i32
      %swap3A_163 = arith.index_cast %swap3A_162 : i32 to index
      %swap3A_164 = arith.index_cast %mul3A_74 : i32 to index
      %swap3A_165 = tpu.vector_load %arg7[%swap3A_163, %swap3A_164] {strides = array<i32>} : memref<16x32xf32, #tpu.memory_space<vmem>>, vector<1x16xf32>,
      %swap3A_166 = vector.shape_cast %swap3A_165 : vector<1x16xf32> to vector<16xf32>
      %swap3A_167 = vector.shape_cast %mul3A_161 : vector<16xf32> to vector<1x16xf32>
      tpu.vector_store %arg7[%swap3A_163, %swap3A_164], %swap3A_167 {strides = array<i32>} : memref<16x32xf32, #tpu.memory_space<vmem>>, vector<1x16xf32>,
      %mul3A_168 = arith.mulf %scan3A_80#13, %div3A_84 : vector<16xf32>
      %swap3A_169 = arith.constant 12 : i32
      %swap3A_170 = arith.index_cast %swap3A_169 : i32 to index
      %swap3A_171 = arith.index_cast %mul3A_74 : i32 to index
      %swap3A_172 = tpu.vector_load %arg7[%swap3A_170, %swap3A_171] {strides = array<i32>} : memref<16x32xf32, #tpu.memory_space<vmem>>, vector<1x16xf32>,
      %swap3A_173 = vector.shape_cast %swap3A_172 : vector<1x16xf32> to vector<16xf32>
      %swap3A_174 = vector.shape_cast %mul3A_168 : vector<16xf32> to vector<1x16xf32>
      tpu.vector_store %arg7[%swap3A_170, %swap3A_171], %swap3A_174 {strides = array<i32>} : memref<16x32xf32, #tpu.memory_space<vmem>>, vector<1x16xf32>,
      %mul3A_175 = arith.mulf %scan3A_80#14, %div3A_84 : vector<16xf32>
      %swap3A_176 = arith.constant 13 : i32
      %swap3A_177 = arith.index_cast %swap3A_176 : i32 to index
      %swap3A_178 = arith.index_cast %mul3A_74 : i32 to index
      %swap3A_179 = tpu.vector_load %arg7[%swap3A_177, %swap3A_178] {strides = array<i32>} : memref<16x32xf32, #tpu.memory_space<vmem>>, vector<1x16xf32>,
      %swap3A_180 = vector.shape_cast %swap3A_179 : vector<1x16xf32> to vector<16xf32>
      %swap3A_181 = vector.shape_cast %mul3A_175 : vector<16xf32> to vector<1x16xf32>
      tpu.vector_store %arg7[%swap3A_177, %swap3A_178], %swap3A_181 {strides = array<i32>} : memref<16x32xf32, #tpu.memory_space<vmem>>, vector<1x16xf32>,
      %mul3A_182 = arith.mulf %scan3A_80#15, %div3A_84 : vector<16xf32>
      %swap3A_183 = arith.constant 14 : i32
      %swap3A_184 = arith.index_cast %swap3A_183 : i32 to index
      %swap3A_185 = arith.index_cast %mul3A_74 : i32 to index
      %swap3A_186 = tpu.vector_load %arg7[%swap3A_184, %swap3A_185] {strides = array<i32>} : memref<16x32xf32, #tpu.memory_space<vmem>>, vector<1x16xf32>,
      %swap3A_187 = vector.shape_cast %swap3A_186 : vector<1x16xf32> to vector<16xf32>
      %swap3A_188 = vector.shape_cast %mul3A_182 : vector<16xf32> to vector<1x16xf32>
      tpu.vector_store %arg7[%swap3A_184, %swap3A_185], %swap3A_188 {strides = array<i32>} : memref<16x32xf32, #tpu.memory_space<vmem>>, vector<1x16xf32>,
      %mul3A_189 = arith.mulf %scan3A_80#16, %div3A_84 : vector<16xf32>
      %swap3A_190 = arith.constant 15 : i32
      %swap3A_191 = arith.index_cast %swap3A_190 : i32 to index
      %swap3A_192 = arith.index_cast %mul3A_74 : i32 to index
      %swap3A_193 = tpu.vector_load %arg7[%swap3A_191, %swap3A_192] {strides = array<i32>} : memref<16x32xf32, #tpu.memory_space<vmem>>, vector<1x16xf32>,
      %swap3A_194 = vector.shape_cast %swap3A_193 : vector<1x16xf32> to vector<16xf32>
      %swap3A_195 = vector.shape_cast %mul3A_189 : vector<16xf32> to vector<1x16xf32>
      tpu.vector_store %arg7[%swap3A_191, %swap3A_192], %swap3A_195 {strides = array<i32>} : memref<16x32xf32, #tpu.memory_space<vmem>>, vector<1x16xf32>,
      %scan3A_196 = arith.constant 0 : i32
      scf.yield %scan3A_196 : i32
    }
    %scan3A_58 = arith.constant 2 : i32
    %dma_start3A_59 = arith.constant 0 : i32
    %dma_start3A_60 = tpu.memref_slice %arg4[%dma_start3A_59, %select_n3A_9, %mul3A_32] : memref<16x8x128xf32, #tpu.memory_space<hbm>> -> memref<16x1x32xf32, #tpu.memory_space<hbm>>
    %dma_start3A_61 = tpu.memref_squeeze %dma_start3A_60 : memref<16x1x32xf32, #tpu.memory_space<hbm>> -> memref<16x32xf32, #tpu.memory_space<hbm>>
    %dma_start3A_62 = arith.constant 0 : i32
    %dma_start3A_63 = tpu.memref_slice %arg4[%dma_start3A_62, %select_n3A_9, %mul3A_32] : memref<16x8x128xf32, #tpu.memory_space<hbm>> -> memref<16x1x32xf32, #tpu.memory_space<hbm>>
    %dma_start3A_64 = tpu.memref_squeeze %dma_start3A_63 : memref<16x1x32xf32, #tpu.memory_space<hbm>> -> memref<16x32xf32, #tpu.memory_space<hbm>>
    tpu.enqueue_dma source(%arg7 : memref<16x32xf32, #tpu.memory_space<vmem>>) target(%dma_start3A_64 : memref<16x32xf32, #tpu.memory_space<hbm>>) target_semaphore(%arg10 : memref<!tpu.dma_semaphore, #tpu.memory_space<semaphore_mem>>)
    %dma_wait3A_65 = arith.constant 0 : i32
    %dma_wait3A_66 = tpu.memref_slice %arg4[%dma_wait3A_65, %select_n3A_9, %mul3A_32] : memref<16x8x128xf32, #tpu.memory_space<hbm>> -> memref<16x1x32xf32, #tpu.memory_space<hbm>>
    %dma_wait3A_67 = tpu.memref_squeeze %dma_wait3A_66 : memref<16x1x32xf32, #tpu.memory_space<hbm>> -> memref<16x32xf32, #tpu.memory_space<hbm>>
    %dma_wait3A_68 = arith.constant 0 : i32
    %dma_wait3A_69 = tpu.memref_slice %arg4[%dma_wait3A_68, %select_n3A_9, %mul3A_32] : memref<16x8x128xf32, #tpu.memory_space<hbm>> -> memref<16x1x32xf32, #tpu.memory_space<hbm>>
    %dma_wait3A_70 = tpu.memref_squeeze %dma_wait3A_69 : memref<16x1x32xf32, #tpu.memory_space<hbm>> -> memref<16x32xf32, #tpu.memory_space<hbm>>
    tpu.wait_dma2 semaphore(%arg10 : memref<!tpu.dma_semaphore, #tpu.memory_space<semaphore_mem>>) src(%arg7 : memref<16x32xf32, #tpu.memory_space<vmem>>) dst(%dma_wait3A_70 : memref<16x32xf32, #tpu.memory_space<hbm>>)
    return
  }
}

</mosaic_0001>

<sc_bundles>
// kernel: kernel.3.cloned.1.call-start
scs
__scs_entry_jumppad:
0x0: {  	(pc) =	sbr.rel $0x88, $3  }
0x1: {  	(tag) =	ssettag $0x0;
	lr =	simm.s32 $0x1  }
0x2: {  	[smem:$0x3F9F] =	sst lr;
	_ =	strace $0xD0000000  }
0x3: {  	_ = 	snop  }
0x4: {  	_ = 	snop  }
0x5: {  	_ = 	snop  }
0x6: {  	_ = 	snop  }
0x7: {  	_ = 	snop  }
__scs_overlays_trampoline_lowered:
0x8: {  	[smem:$0x3FAE] =	sst s0  }
0x9: {  	[smem:$0x3FAF] =	sst s1  }
0xa: {  	[smem:$0x3FB0] =	sst s2  }
0xb: {  	[smem:$0x3FB1] =	sst s3  }
0xc: {  	[smem:$0x3FB2] =	sst s4  }
0xd: {  	[smem:$0x3FB3] =	sst s5  }
0xe: {  	[smem:$0x3FB4] =	sst s6  }
0xf: {  	[smem:$0x3FB5] =	sst s7  }
0x10: {  	[smem:$0x3FB6] =	sst s8  }
0x11: {  	[smem:$0x3FB7] =	sst s9;
	s0 =	simm.s32 @!p0 $0x0  }
0x12: {  	s1 =	sld [smem:$0x3F9D];
	s0 =	simm.s32 @p0 $0x1  }
0x13: {  	[smem:$0x3FB8] =	sst s0;
	s0 =	simm.s32 @!p1 $0x0  }
0x14: {  	s2 =	sld [smem:$0x3F9C];
	s0 =	simm.s32 @p1 $0x1  }
0x15: {  	[smem:$0x3FB9] =	sst s0;
	s0 =	simm.s32 @!p2 $0x0  }
0x16: {  	s3 =	sld [smem:$0x3FDB];
	s0 =	simm.s32 @p2 $0x1  }
0x17: {  	s4 =	simm.s32 $0x1BF5;
	[smem:$0x3FBB] =	sst s0  }
0x18: {  	s0 =	sld [smem:$0x3F9E];
	_ =	swait.ge [sflag:s4], $0x0  }
0x19: {  	s7 =	sld [smem:$0x3F9F]  }
0x1a: {  	s8 =	sadd.s32 $0xFFFFE003, lr  }
0x1b: {  	s9 =	sadd.s32 $0xFFFFFEF7, lr;
	s5 =	simm.s32 $0xFFFFFFFF;
	p2 =	slt.u32 s8, $0xFFFFF086  }
0x1c: {  	p1 =	slt.u32 s9, $0xF7A;
	s5 =	simm.s32 @!p2 $0x0  }
0x1d: {  	s5 =	simm.s32 @p1 $0x1;
	p0 =	seq.s32 s7, s2  }
0x1e: {  	s7 =	smul.u32 @!p0 $0xF7A, s2;
	p2 =	seq.s32 @!p0 s5, $0x0  }
0x1f: {  	s9 =	smul.u32 $0xF7A, s1;
	s8 =	simm.s32 @!p0 $0x1BF5;
	p2 =	por !p2, p0  }
0x20: {  	[sflag:s8] =	ssyncset.s32 @!p0 $0xFFFFF086;
	s6 =	sadd.s32 @!p0 s3, s7;
	s7 =	simm.s32 @!p0 $0x108  }
0x21: {  	s3 =	sadd.s32 s3, s9;
	s6 =	sadd.s32 @!p0 $0x88, s6;
	s7 =	simm.s32 @p2 $0x1082  }
0x22: {  	[simem:s7], [sflag:s8] =	dma.local @!p0 [hbm:s6], $0xF7A  }
0x23: {  	s9 =	sor.u32 $0xD0000000, s2;
	s6 =	simm.s32 $0x108;
	_ =	swait.ge @!p0 [sflag:s8], $0x0  }
0x24: {  	s3 =	sadd.s32 $0x88, s3;
	s6 =	simm.s32 @!p1 $0x1082;
	[sflag:s4] =	ssyncset.s32 $0xFFFFF086  }
0x25: {  	[simem:s6], [sflag:s4] =	dma.local [hbm:s3], $0xF7A  }
0x26: {  	[smem:$0x3F9F] =	sst s1;
	(tag) =	ssettag s2;
	_ =	strace s9  }
0x27: {  	s1 =	sld [smem:$0x3FAF]  }
0x28: {  	s2 =	sld [smem:$0x3FB0]  }
0x29: {  	s4 =	sld [smem:$0x3FB2]  }
0x2a: {  	p0 =	seq.s32 s5, $0x0;
	s5 =	sld [smem:$0x3FB3]  }
0x2b: {  	s6 =	sld [smem:$0x3FB4]  }
0x2c: {  	s7 =	sld [smem:$0x3FB5]  }
0x2d: {  	s3 =	simm.s32 $0x108;
	s8 =	sld [smem:$0x3FB6]  }
0x2e: {  	s3 =	simm.s32 @!p0 $0x1082;
	s9 =	sld [smem:$0x3FB7]  }
0x2f: {  	lr =	sadd.s32 s0, s3;
	s0 =	sld [smem:$0x3FAE]  }
0x30: {  	s3 =	sld [smem:$0x3FB1]  }
0x31: {  	[smem:$0x3FBA] =	sst s10  }
0x32: {  	s10 =	sld [smem:$0x3FB8];
	_ =	sdelay $0x3  }
0x33: {  	p0 =	seq.s32 s10, $0x1;
	s10 =	sld [smem:$0x3FBA];
	_ =	sdelay $0x3  }
0x34: {  	[smem:$0x3FBA] =	sst s10  }
0x35: {  	s10 =	sld [smem:$0x3FB9];
	_ =	sdelay $0x3  }
0x36: {  	p1 =	seq.s32 s10, $0x1;
	s10 =	sld [smem:$0x3FBA];
	_ =	sdelay $0x3  }
0x37: {  	[smem:$0x3FBA] =	sst s10  }
0x38: {  	s10 =	sld [smem:$0x3FBB]  }
0x39: {  	_ = 	snop;
	(pc) =	sbr.ind lr, $3  }
0x3a: {  	_ = 	snop  }
0x3b: {  	_ = 	snop  }
0x3c: {  	p2 =	seq.s32 s10, $0x1;
	s10 =	sld [smem:$0x3FBA]  }
0x3d: {  	_ =	shalt  }
0x3e: {  	_ =	shalt  }
0x3f: {  	_ =	shalt  }
0x40: {  	_ =	shalt  }
0x41: {  	_ =	shalt  }
0x42: {  	_ =	shalt  }
0x43: {  	_ =	shalt  }
0x44: {  	_ =	shalt  }
0x45: {  	_ =	shalt  }
0x46: {  	_ =	shalt  }
0x47: {  	_ =	shalt  }
0x48: {  	_ =	shalt  }
0x49: {  	_ =	shalt  }
0x4a: {  	_ =	shalt  }
0x4b: {  	_ =	shalt  }
0x4c: {  	_ =	shalt  }
0x4d: {  	_ =	shalt  }
0x4e: {  	_ =	shalt  }
0x4f: {  	_ =	shalt  }
0x50: {  	_ =	shalt  }
0x51: {  	_ =	shalt  }
0x52: {  	_ =	shalt  }
0x53: {  	_ =	shalt  }
0x54: {  	_ =	shalt  }
0x55: {  	_ =	shalt  }
0x56: {  	_ =	shalt  }
0x57: {  	_ =	shalt  }
0x58: {  	_ =	shalt  }
0x59: {  	_ =	shalt  }
0x5a: {  	_ =	shalt  }
0x5b: {  	_ =	shalt  }
0x5c: {  	_ =	shalt  }
0x5d: {  	_ =	shalt  }
0x5e: {  	_ =	shalt  }
0x5f: {  	_ =	shalt  }
0x60: {  	_ =	shalt  }
0x61: {  	_ =	shalt  }
0x62: {  	_ =	shalt  }
0x63: {  	_ =	shalt  }
0x64: {  	_ =	shalt  }
0x65: {  	_ =	shalt  }
0x66: {  	_ =	shalt  }
0x67: {  	_ =	shalt  }
0x68: {  	_ =	shalt  }
0x69: {  	_ =	shalt  }
0x6a: {  	_ =	shalt  }
0x6b: {  	_ =	shalt  }
0x6c: {  	_ =	shalt  }
0x6d: {  	_ =	shalt  }
0x6e: {  	_ =	shalt  }
0x6f: {  	_ =	shalt  }
0x70: {  	_ =	shalt  }
0x71: {  	_ =	shalt  }
0x72: {  	_ =	shalt  }
0x73: {  	_ =	shalt  }
0x74: {  	_ =	shalt  }
0x75: {  	_ =	shalt  }
0x76: {  	_ =	shalt  }
0x77: {  	_ =	shalt  }
0x78: {  	_ =	shalt  }
0x79: {  	_ =	shalt  }
0x7a: {  	_ =	shalt  }
0x7b: {  	_ =	shalt  }
0x7c: {  	_ =	shalt  }
0x7d: {  	_ =	shalt  }
0x7e: {  	_ =	shalt  }
0x7f: {  	_ =	shalt  }
0x80: {  	_ =	shalt  }
0x81: {  	_ =	shalt  }
0x82: {  	_ =	shalt  }
0x83: {  	_ =	shalt  }
0x84: {  	_ =	shalt  }
0x85: {  	_ =	shalt  }
0x86: {  	_ =	shalt  }
0x87: {  	_ =	shalt  }
.Lfunc_end0:
.L_simem_size_0:
called_computation_lowered:
.L_overlay_start_0:
0x88: {  	s2 =	sld [smem:$0x3FD9]  }
0x89: {  	s3 =	sld [smem:$0x3FFE];
	_ =	sdelay $0x1  }
0x8a: {  	s1 =	srdreg.scid  }
0x8b: {  	s0 =	sand.u32 $0x1, s1  }
0x8c: {  	s18 =	sshll.u32 s0, $0xA;
	s2 =	sadd.s32 s3, s2  }
0x8d: {  	s2 =	sadd.s32 s2, s18  }
0x8e: {  	[smem:$0x3FC6] =	sst s2  }
0x8f: {  	_ = 	snop  }
0x90: {  	s2 =	sld [smem:$0x3FC9]  }
0x91: {  	s19 =	sld [smem:$0x3FC8]  }
0x92: {  	s4 =	sld [smem:$0x3FD0];
	(tm) =	ssettm $0x1  }
0x93: {  	s5 =	sld [smem:$0x3FFB];
	_ =	sdelay $0x3  }
0x94: {  	_ =	strace s5  }
0x95: {  	s5 =	sld [smem:$0x3FFC];
	_ =	sdelay $0x3  }
0x96: {  	_ =	strace s5  }
0x97: {  	s5 =	sld [smem:$0x3FFD];
	_ =	sdelay $0x3  }
0x98: {  	_ =	strace s5  }
0x99: {  	_ =	strace $0x8FFFFFFF  }
0x9a: {  	s20 =	sld [smem:$0x3FDB];
	_ =	sdelay $0x1  }
0x9b: {  	s6 =	simm.s32 $_scs_section_size  }
0x9c: {  	s7 =	simm.s32 $_size__tile_overlayer_lowered;
	s8 =	simm.s32 $_tile_overlayer_lowered  }
0x9d: {  	s23 =	simm.s32 $0x1BFF;
	s22 =	sshll.u32 s8, $0x1;
	s5 =	sadd.s32 s6, s20  }
0x9e: {  	s9 =	simm.s32 $0x0;
	s21 =	sshll.u32 s7, $0x1;
	s7 =	sadd.s32 s22, s5  }
0x9f: {  	[timem:s9], [sflag:s23] =	dma.local [hbm:s7], s21  }
0xa0: {  	_ =	swait.ge [sflag:s23], s21  }
0xa1: {  	s6 =	ssub.s32 $0x0, s21;
	[sflag:s23] =	ssyncset.done $0x0  }
0xa2: {  	[sflag:s23] =	ssyncadd.s32 s6;
	_ =	sdelay $0x1  }
0xa3: {  	s24 =	simm.s32 $0x1B8B  }
0xa4: {  	_ =	swait.ge [sflag:s24], $0x1  }
0xa5: {  	[sflag:s24] =	ssyncset.done $0x0  }
0xa6: {  	s25 =	simm.s32 $0x1B8E;
	[sflag:s24] =	ssyncadd.s32 $0xFFFFFFFF  }
0xa7: {  	s26 =	simm.s32 $execute0_lowered;
	[smem:$0x3FD2] =	sst s25  }
0xa8: {  	s6 =	sshll.u32 s26, $0x1;
	_ =	strace $0x80000046;
	[dreg:$0x1] =	wrdreg $0xFFFFFFFF  }
0xa9: {  	s28 =	simm.s32 $_size_execute0_lowered;
	s5 =	sadd.s32 s5, s6;
	[dreg:$0x0] =	wrdreg $0x0  }
0xaa: {  	s6 =	sshll.u32 s28, $0x1;
	[dreg:$0x2] =	wrdreg s5  }
0xab: {  	[dreg:$0x3] =	wrdreg s6  }
0xac: {  	[dreg:$0x4] =	wrdreg $0xC0  }
0xad: {  	_ =	task [dreg:s9], $0x5FFFF  }
0xae: {  	[dreg:$0x1] =	wrdreg $0xFFFFFFFF  }
0xaf: {  	[dreg:$0x0] =	wrdreg $0x60  }
0xb0: {  	[dreg:$0x2] =	wrdreg s2  }
0xb1: {  	[dreg:$0x3] =	wrdreg s19  }
0xb2: {  	[dreg:$0x4] =	wrdreg s4  }
0xb3: {  	[dreg:$0x5] =	wrdreg $0x9  }
0xb4: {  	_ =	task.clear_ibuf [dreg:s9], $0x6FFFF;
	_ =	strace $0x90000046  }
0xb5: {  	s29 =	simm.s32 $0x9;
	_ =	strace $0x80000048  }
0xb6: {  	_ =	swait.ge [sflag:s29], $0x1  }
0xb7: {  	[sflag:s29] =	ssyncadd.s32 $0xFFFFFFFF  }
0xb8: {  	_ =	strace $0x90000048  }
0xb9: {  	_ =	sfence  }
0xba: {  	s30 =	sld [smem:$0x0];
	_ =	sdelay $0x2  }
0xbb: {  	s31 =	sshll.u32 s1, $0xD;
	s1 =	sshrl.u32 s1, $0x2  }
0xbc: {  	s3 =	sand.u32 $0x4000, s31;
	s1 =	sadd.s32 s1, s30  }
0xbd: {  	s0 =	sor.u32 s3, s0;
	s1 =	sshll.u32 s1, $0x11  }
0xbe: {  	s0 =	sor.u32 s1, s0  }
0xbf: {  	s0 =	sadd.s32 $0x8F2B, s0  }
0xc0: {  	[sflag:s0] =	ssyncadd.remote.s32 $0x1  }
0xc1: {  	_ =	sfence.sel $0xFFFF  }
0xc2: {  	[dreg:$0x0] =	wrdreg $0xFFFFFFFF;
	(pc) =	sbr.abs _section_cstart, $3  }
0xc3: {  	[dreg:$0x1] =	wrdreg $0xFFFFFFFF  }
0xc4: {  	_ =	task.clear_ibuf [dreg:s9], $0x2FFFF;
	_ =	strace $0x9FFFFFFF  }
0xc5: {  	(tm) =	ssettm $0x7FFFFFFF  }
tec
execute0_lowered:
.L_overlay_start_1:
0x0: {  	(tag) =	ssettag $0x1  }
0x1: {  	s0 =	rddreg [dreg:$0x0]  }
0x2: {  	s4 =	stileid.u32;
	s1 =	rddreg [dreg:$0x1]  }
0x3: {  	s2 =	srdreg.scid;
	s16 =	rddreg [dreg:$0x2];
	s5 =	simm.s32 $0x0  }
0x4: {  	s22 =	simm.s32 $0x20;
	s30 =	simm.s32 $0x8000;
	s31 =	simm.s32 $0x1  }
0x5: {  	s3 =	sshll.u32 s4, $0x1;
	s2 =	sand.u32 $0x1, s2;
	[smem:$0x7FF] =	sst s5  }
0x6: {  	s23 =	sshll.u32 s4, $0x3;
	s3 =	sand.u32 $0x6, s3;
	_ =	strace $0x80000047  }
0x7: {  	s9 =	sand.u32 $0x60, s23;
	s23 =	simm.s32 $0x80;
	s7 =	sor.u32 s2, s3  }
0x8: {  	s2 =	ssub.s32 $0x2, s2;
	s24 =	smul.u32 $0x3200, s7;
	s25 =	sshll.u32 s7, $0xD  }
0x9: {  	s26 =	sshrl.u32 s2, $0x1;
	s29 =	sshll.u32 s7, $0x7;
	s3 =	sor.u32 s9, s25  }
0xa: {  	s2 =	ssub.s32 s2, s26;
	s25 =	simm.s32 $0x0;
	s4 =	sor.u32 s9, s24  }
0xb: {  	s28 =	sshrl.u32 s3, $0x3;
	s19 =	smax.u32 s2, $0x1;
	s4 =	sshrl.u32 s4, $0x3  }
0xc: {  	s2 =	simm.s32 $0x8800;
	s24 =	simm.s32 $0x3;
	s3 =	sadd.s32 s0, s4  }
0xd: {  	s5 =	sadd.s32 $0x4E200, s3;
	s6 =	sadd.s32 $0x9C400, s3;
	s7 =	sadd.s32 $0x138800, s3  }
0xe: {  	s0 =	sor.u32 s9, s29;
	s8 =	sadd.s32 $0x186A00, s3;
	s9 =	sadd.s32 $0x1D4C00, s3  }
0xf: {  	s10 =	sadd.s32 $0x222E00, s3;
	s11 =	sadd.s32 $0xEA600, s3;
	s12 =	sadd.s32 $0x271000, s3  }
0x10: {  	s4 =	sadd.s32 s1, s28;
	s13 =	sadd.s32 $0x2BF200, s3;
	s14 =	sadd.s32 $0x30D400, s3  }
0x11: {  	s1 =	simm.s32 $0x2;
	s15 =	sadd.s32 $0x35B600, s3;
	s17 =	sadd.s32 $0x3A9800, s3  }
0x12: {  	s0 =	sshrl.u32 s0, $0x3;
	s18 =	sadd.s32 $0x3F7A00, s3;
	s20 =	sadd.s32 $0x445C00, s3  }
0x13: {  	s21 =	sadd.s32 $0x493E00, s3;
	s16 =	sadd.s32 s16, s0;
	s0 =	simm.s32 $0x400  }
.LBB2_1:
0x14: {  	s26 =	simm.s32 $0x0  }
0x15: {  	[tilespmem:s26], [sflag:$0x1] =	stream.strided.gather [hbm4b:s4+s22], $0x800, s23, s22, $0x38;
	[tilespmem:$0x8A00] =	vst v63  }
0x16: {  	s29 =	simm.s32 $0x800  }
0x17: {  	[tilespmem:s29], [sflag:$0x2] =	stream.strided.gather [hbm4b:s3+s22], $0x800, s23, s22, $0x38;
	[tilespmem:$0x8A00] =	vst v63  }
0x18: {  	s28 =	simm.s32 $0x1000  }
0x19: {  	[tilespmem:s28], [sflag:$0x2] =	stream.strided.gather [hbm4b:s5+s22], $0x800, s23, s22, $0x38;
	[tilespmem:$0x8A00] =	vst v63  }
0x1a: {  	s29 =	simm.s32 $0x1800  }
0x1b: {  	[tilespmem:s29], [sflag:$0x2] =	stream.strided.gather [hbm4b:s6+s22], $0x800, s23, s22, $0x38;
	[tilespmem:$0x8A00] =	vst v63  }
0x1c: {  	s28 =	simm.s32 $0x2000  }
0x1d: {  	[tilespmem:s28], [sflag:$0x2] =	stream.strided.gather [hbm4b:s11+s22], $0x800, s23, s22, $0x38;
	[tilespmem:$0x8A00] =	vst v63  }
0x1e: {  	s29 =	simm.s32 $0x2800  }
0x1f: {  	[tilespmem:s29], [sflag:$0x2] =	stream.strided.gather [hbm4b:s7+s22], $0x800, s23, s22, $0x38;
	[tilespmem:$0x8A00] =	vst v63  }
0x20: {  	s28 =	simm.s32 $0x3000  }
0x21: {  	[tilespmem:s28], [sflag:$0x2] =	stream.strided.gather [hbm4b:s8+s22], $0x800, s23, s22, $0x38;
	[tilespmem:$0x8A00] =	vst v63  }
0x22: {  	s29 =	simm.s32 $0x3800  }
0x23: {  	[tilespmem:s29], [sflag:$0x2] =	stream.strided.gather [hbm4b:s9+s22], $0x800, s23, s22, $0x38;
	[tilespmem:$0x8A00] =	vst v63  }
0x24: {  	s28 =	simm.s32 $0x4000  }
0x25: {  	[tilespmem:s28], [sflag:$0x2] =	stream.strided.gather [hbm4b:s10+s22], $0x800, s23, s22, $0x38;
	[tilespmem:$0x8A00] =	vst v63  }
0x26: {  	s29 =	simm.s32 $0x4800  }
0x27: {  	[tilespmem:s29], [sflag:$0x2] =	stream.strided.gather [hbm4b:s12+s22], $0x800, s23, s22, $0x38;
	[tilespmem:$0x8A00] =	vst v63  }
0x28: {  	s28 =	simm.s32 $0x5000  }
0x29: {  	[tilespmem:s28], [sflag:$0x2] =	stream.strided.gather [hbm4b:s13+s22], $0x800, s23, s22, $0x38;
	[tilespmem:$0x8A00] =	vst v63  }
0x2a: {  	s29 =	simm.s32 $0x5800  }
0x2b: {  	[tilespmem:s29], [sflag:$0x2] =	stream.strided.gather [hbm4b:s14+s22], $0x800, s23, s22, $0x38;
	[tilespmem:$0x8A00] =	vst v63  }
0x2c: {  	s28 =	simm.s32 $0x6000  }
0x2d: {  	[tilespmem:s28], [sflag:$0x2] =	stream.strided.gather [hbm4b:s15+s22], $0x800, s23, s22, $0x38;
	[tilespmem:$0x8A00] =	vst v63  }
0x2e: {  	s29 =	simm.s32 $0x6800  }
0x2f: {  	[tilespmem:s29], [sflag:$0x2] =	stream.strided.gather [hbm4b:s17+s22], $0x800, s23, s22, $0x38;
	[tilespmem:$0x8A00] =	vst v63  }
0x30: {  	s28 =	simm.s32 $0x7000  }
0x31: {  	[tilespmem:s28], [sflag:$0x2] =	stream.strided.gather [hbm4b:s18+s22], $0x800, s23, s22, $0x38;
	[tilespmem:$0x8A00] =	vst v63  }
0x32: {  	s29 =	simm.s32 $0x7800  }
0x33: {  	[tilespmem:s29], [sflag:$0x2] =	stream.strided.gather [hbm4b:s20+s22], $0x800, s23, s22, $0x38;
	[tilespmem:$0x8A00] =	vst v63  }
0x34: {  	_ = 	snop  }
0x35: {  	[tilespmem:s30], [sflag:$0x2] =	stream.strided.gather [hbm4b:s21+s22], $0x800, s23, s22, $0x38;
	[tilespmem:$0x8A00] =	vst v63  }
0x36: {  	_ =	swait.ge [sflag:s31], $0x800  }
0x37: {  	[sflag:s31] =	ssyncset.done $0x0  }
0x38: {  	[sflag:s31] =	ssyncadd.s32 $0xFFFFF800  }
0x39: {  	_ =	swait.ge [sflag:s1], $0x8000  }
0x3a: {  	[sflag:s1] =	ssyncset.done $0x0  }
0x3b: {  	p1 =	por $0x1, $0x1;
	s26 =	simm.s32 $0x0;
	[sflag:s1] =	ssyncadd.s32 $0xFFFF8000  }
.LBB2_2:
0x3c: {  	s28 =	sshll.u32 s26, $0x2  }
0x3d: {  	s29 =	sshra.s32 s28, $0x2  }
0x3e: {  	s28 =	sadd.s32 $0x800, s29  }
0x3f: {  	v0 =	vmov s28;
	_ =	sdelay $0x3  }
0x40: {  	s28 =	simm.s32 $0x0  }
0x41: {  	v8 =	vld.idx.msk [tilespmem:v0+s28+$0xE0 ss:$0x1], $0xffff  }
0x42: {  	v14 =	vld.idx.msk [tilespmem:v0+s28+$0x8E0 ss:$0x1], $0xffff  }
0x43: {  	v15 =	vld.idx.msk [tilespmem:v0+s28+$0x10E0 ss:$0x1], $0xffff  }
0x44: {  	v20 =	vld.idx.msk [tilespmem:v0+s28+$0x18E0 ss:$0x1], $0xffff  }
0x45: {  	v21 =	vld.idx.msk [tilespmem:v0+s28+$0x20E0 ss:$0x1], $0xffff  }
0x46: {  	v22 =	vld.idx.msk [tilespmem:v0+s28+$0x28E0 ss:$0x1], $0xffff  }
0x47: {  	v30 =	vld.idx.msk [tilespmem:v0+s28+$0x30E0 ss:$0x1], $0xffff  }
0x48: {  	v37 =	vld.idx.msk [tilespmem:v0+s28+$0x38E0 ss:$0x1], $0xffff  }
0x49: {  	v38 =	vld.idx.msk [tilespmem:v0+s28+$0x40E0 ss:$0x1], $0xffff  }
0x4a: {  	v39 =	vld.idx.msk [tilespmem:v0+s28+$0x48E0 ss:$0x1], $0xffff  }
0x4b: {  	v40 =	vld.idx.msk [tilespmem:v0+s28+$0x50E0 ss:$0x1], $0xffff  }
0x4c: {  	v45 =	vld.idx.msk [tilespmem:v0+s28+$0x58E0 ss:$0x1], $0xffff  }
0x4d: {  	v46 =	vld.idx.msk [tilespmem:v0+s28+$0x60E0 ss:$0x1], $0xffff  }
0x4e: {  	v47 =	vld.idx.msk [tilespmem:v0+s28+$0x68E0 ss:$0x1], $0xffff  }
0x4f: {  	v48 =	vld.idx.msk [tilespmem:v0+s28+$0xC0 ss:$0x1], $0xffff  }
0x50: {  	v49 =	vld.idx.msk [tilespmem:v0+s28+$0x8C0 ss:$0x1], $0xffff  }
0x51: {  	v50 =	vld.idx.msk [tilespmem:v0+s28+$0x10C0 ss:$0x1], $0xffff  }
0x52: {  	v51 =	vld.idx.msk [tilespmem:v0+s28+$0x18C0 ss:$0x1], $0xffff  }
0x53: {  	v24 =	vld.idx.msk [tilespmem:v0+s28+$0x20C0 ss:$0x1], $0xffff  }
0x54: {  	v25 =	vld.idx.msk [tilespmem:v0+s28+$0x28C0 ss:$0x1], $0xffff  }
0x55: {  	v29 =	vld.idx.msk [tilespmem:v0+s28+$0x30C0 ss:$0x1], $0xffff  }
0x56: {  	v28 =	vld.idx.msk [tilespmem:v0+s28+$0x38C0 ss:$0x1], $0xffff  }
0x57: {  	v26 =	vld.idx.msk [tilespmem:v0+s28+$0x40C0 ss:$0x1], $0xffff  }
0x58: {  	s29 =	sadd.s32 $0xE0, s29;
	v17 =	vld.idx.msk [tilespmem:v0+s28+$0x48C0 ss:$0x1], $0xffff  }
0x59: {  	v2 =	vmov s29;
	v16 =	vld.idx.msk [tilespmem:v0+s28+$0x50C0 ss:$0x1], $0xffff  }
0x5a: {  	v13 =	vld.idx.msk [tilespmem:v0+s28+$0x58C0 ss:$0x1], $0xffff  }
0x5b: {  	v11 =	vld.idx.msk [tilespmem:v0+s28+$0x60C0 ss:$0x1], $0xffff  }
0x5c: {  	v12 =	vld.idx.msk [tilespmem:v0+s28+$0x68C0 ss:$0x1], $0xffff  }
0x5d: {  	v18 =	vld.idx.msk [tilespmem:v0+s28+$0xA0 ss:$0x1], $0xffff  }
0x5e: {  	v1 =	vld.idx.msk [tilespmem:v2+s28+$0x0 ss:$0x1], $0xffff  }
0x5f: {  	v19 =	vld.idx.msk [tilespmem:v0+s28+$0x8A0 ss:$0x1], $0xffff  }
0x60: {  	v27 =	vld.idx.msk [tilespmem:v0+s28+$0x10A0 ss:$0x1], $0xffff  }
0x61: {  	v3 =	vld.idx.msk [tilespmem:v2+s28+$0xFFFFFFE0 ss:$0x1], $0xffff  }
0x62: {  	v4 =	vld.idx.msk [tilespmem:v2+s28+$0xFFFFFFC0 ss:$0x1], $0xffff  }
0x63: {  	v5 =	vld.idx.msk [tilespmem:v2+s28+$0xFFFFFFA0 ss:$0x1], $0xffff;
	v1 =	vmul.f32 $1.442695020e+00, v1  }
0x64: {  	v6 =	vld.idx.msk [tilespmem:v2+s28+$0xFFFFFF80 ss:$0x1], $0xffff  }
0x65: {  	v7 =	vld.idx.msk [tilespmem:v2+s28+$0xFFFFFF60 ss:$0x1], $0xffff;
	(erf) = vpow2.f32 v1  }
0x66: {  	v9 =	vld.idx.msk [tilespmem:v2+s28+$0xFFFFFF40 ss:$0x1], $0xffff  }
0x67: {  	v10 =	vld.idx.msk [tilespmem:v2+s28+$0xFFFFFF20 ss:$0x1], $0xffff;
	v3 =	vmul.f32 $1.442695020e+00, v3  }
0x68: {  	v43 =	vld.idx.msk [tilespmem:v0+s28+$0x18A0 ss:$0x1], $0xffff;
	v1 =	vmul.f32 $1.442695020e+00, v4;
	v4 =	vmul.f32 $1.442695020e+00, v5  }
0x69: {  	v34 =	vld.idx.msk [tilespmem:v0+s28+$0x20A0 ss:$0x1], $0xffff;
	(erf) = vpow2.f32 v3;
	v3 =	vmul.f32 $1.442695020e+00, v6  }
0x6a: {  	v41 =	vld.idx.msk [tilespmem:v0+s28+$0x28A0 ss:$0x1], $0xffff;
	(erf) = vpow2.f32 v1;
	v1 =	vmul.f32 $1.442695020e+00, v7  }
0x6b: {  	v42 =	vld.idx.msk [tilespmem:v0+s28+$0x30A0 ss:$0x1], $0xffff;
	(erf) = vpow2.f32 v4  }
0x6c: {  	v36 =	vld.idx.msk [tilespmem:v0+s28+$0x38A0 ss:$0x1], $0xffff;
	v4 =	vmul.f32 $1.442695020e+00, v9;
	(erf) = vpow2.f32 v3  }
0x6d: {  	v35 =	vld.idx.msk [tilespmem:v0+s28+$0x40A0 ss:$0x1], $0xffff;
	v3 =	vmul.f32 $1.442695020e+00, v10;
	(erf) = vpow2.f32 v1  }
0x6e: {  	v23 =	vld.idx.msk [tilespmem:v0+s28+$0x60A0 ss:$0x1], $0xffff;
	(erf) = vpow2.f32 v4;
	v1 =	vpop (erf)  }
0x6f: {  	v52 =	vld.idx.msk [tilespmem:v0+s28+$0x20 ss:$0x1], $0xffff;
	(erf) = vpow2.f32 v3;
	v55 =	vmul.f32 v1, v8  }
0x70: {  	v53 =	vld.idx.msk [tilespmem:v0+s28+$0x820 ss:$0x1], $0xffff;
	v56 =	vmul.f32 v14, v1;
	v58 =	vmul.f32 v15, v1  }
0x71: {  	v54 =	vld.idx.msk [tilespmem:v0+s28+$0x0 ss:$0x1], $0xffff;
	v44 =	vmul.f32 v20, v1;
	v15 =	vmul.f32 v21, v1  }
0x72: {  	v57 =	vld.idx.msk [tilespmem:v0+s28+$0x800 ss:$0x1], $0xffff;
	v20 =	vmul.f32 v30, v1;
	v32 =	vmul.f32 v37, v1  }
0x73: {  	v59 =	vld.idx.msk [tilespmem:v0+s28+$0x1000 ss:$0x1], $0xffff;
	v3 =	vpop (erf);
	v30 =	vmul.f32 v38, v1;
	v31 =	vmul.f32 v39, v1  }
0x74: {  	v5 =	vld.idx.msk [tilespmem:v0+s28+$0x68A0 ss:$0x1], $0xffff;
	v62 =	vmul.f32 v46, v1;
	v48 =	vmul.f32 v3, v48  }
0x75: {  	v33 =	vld.idx.msk [tilespmem:v0+s28+$0x840 ss:$0x1], $0xffff;
	v49 =	vmul.f32 v49, v3;
	v25 =	vmul.f32 v25, v3  }
0x76: {  	v39 =	vld.idx.msk [tilespmem:v0+s28+$0x40 ss:$0x1], $0xffff;
	v17 =	vmul.f32 v17, v3;
	v16 =	vmul.f32 v16, v3  }
0x77: {  	v60 =	vld.idx.msk [tilespmem:v0+s28+$0x1040 ss:$0x1], $0xffff;
	v4 =	vpop (erf);
	v13 =	vmul.f32 v13, v3;
	[tilespmem:$0x1FF10] =	vst v15;
	v15 =	vmul.f32 v22, v1  }
0x78: {  	v6 =	vld.idx.msk [tilespmem:v0+s28+$0x58A0 ss:$0x1], $0xffff;
	v7 =	vpop (erf);
	v18 =	vmul.f32 v4, v18;
	v36 =	vmul.f32 v36, v4;
	[tilespmem:$0x1FFA0] =	vst v17  }
0x79: {  	v21 =	vld.idx.msk [tilespmem:v0+s28+$0x1800 ss:$0x1], $0xffff;
	v5 =	vmul.f32 v5, v4;
	v8 =	vpop (erf);
	v17 =	vmul.f32 v19, v4;
	[tilespmem:$0x1FFB0] =	vst v16  }
0x7a: {  	v22 =	vld.idx.msk [tilespmem:v0+s28+$0x1020 ss:$0x1], $0xffff;
	v16 =	vmul.f32 v27, v4;
	[tilespmem:$0x1FFC0] =	vst v13;
	v13 =	vmul.f32 v43, v4;
	v14 =	vpop (erf)  }
0x7b: {  	v37 =	vld.idx.msk [tilespmem:v0+s28+$0x1820 ss:$0x1], $0xffff;
	[tilespmem:$0x1FF20] =	vst v15;
	v39 =	vmul.f32 v14, v39;
	v33 =	vmul.f32 v33, v14;
	v15 =	vpop (erf)  }
0x7c: {  	[tilespmem:$0x1FF30] =	vst v20;
	v27 =	vld.idx.msk [tilespmem:v0+s28+$0x2020 ss:$0x1], $0xffff;
	v20 =	vpop (erf);
	v52 =	vmul.f32 v15, v52;
	v53 =	vmul.f32 v53, v15  }
0x7d: {  	v9 =	vld.idx.msk [tilespmem:v0+s28+$0x50A0 ss:$0x1], $0xffff;
	v63 =	vmul.f32 v20, v54;
	v54 =	vmul.f32 v57, v20  }
0x7e: {  	v10 =	vld.idx.msk [tilespmem:v0+s28+$0x48A0 ss:$0x1], $0xffff;
	[tilespmem:$0x1FF40] =	vst v30;
	v30 =	vimm.f32 $0.0e+00;
	v59 =	vmul.f32 v59, v20;
	v21 =	vmul.f32 v21, v20  }
0x7f: {  	v46 =	vld.idx.msk [tilespmem:v0+s28+$0x880 ss:$0x1], $0xffff;
	v22 =	vmul.f32 v22, v15;
	v38 =	vadd.f32 v63, v30;
	v54 =	vadd.f32 v54, v30  }
0x80: {  	v57 =	vld.idx.msk [tilespmem:v0+s28+$0x1060 ss:$0x1], $0xffff;
	v59 =	vadd.f32 v59, v30;
	v61 =	vadd.f32 v21, v30;
	v21 =	vmul.f32 v40, v1  }
0x81: {  	v37 =	vmul.f32 v37, v15;
	v27 =	vmul.f32 v27, v15;
	v38 =	vadd.f32 v52, v38;
	v52 =	vld.idx.msk [tilespmem:v0+s28+$0x1840 ss:$0x1], $0xffff  }
0x82: {  	v53 =	vadd.f32 v53, v54;
	v54 =	vld.idx.msk [tilespmem:v0+s28+$0x60 ss:$0x1], $0xffff;
	[tilespmem:$0x1FF60] =	vst v21;
	v40 =	vadd.f32 v22, v59  }
0x83: {  	v59 =	vld.idx.msk [tilespmem:v0+s28+$0x860 ss:$0x1], $0xffff;
	v21 =	vmul.f32 v45, v1;
	v37 =	vadd.f32 v37, v61;
	v61 =	vmul.f32 v60, v14  }
0x84: {  	v22 =	vmul.f32 v26, v3;
	v26 =	vmul.f32 v34, v4;
	v38 =	vadd.f32 v39, v38;
	v39 =	vld.idx.msk [tilespmem:v0+s28+$0x1860 ss:$0x1], $0xffff  }
0x85: {  	[tilespmem:$0x1FF70] =	vst v21;
	v45 =	vadd.f32 v33, v53;
	v53 =	vld.idx.msk [tilespmem:v0+s28+$0x80 ss:$0x1], $0xffff;
	v21 =	vmul.f32 v47, v1  }
0x86: {  	v40 =	vadd.f32 v61, v40;
	v47 =	vld.idx.msk [tilespmem:v0+s28+$0x1080 ss:$0x1], $0xffff;
	v61 =	vmul.f32 v57, v8;
	[tilespmem:$0x1FF90] =	vst v22  }
0x87: {  	v34 =	vmul.f32 v41, v4;
	v57 =	vmul.f32 v51, v3;
	v22 =	vld.idx.msk [tilespmem:v0+s28+$0x4880 ss:$0x1], $0xffff;
	[tilespmem:$0x1FF80] =	vst v21  }
0x88: {  	v40 =	vadd.f32 v61, v40;
	v21 =	vmul.f32 v24, v3;
	v61 =	vld.idx.msk [tilespmem:v0+s28+$0x3880 ss:$0x1], $0xffff;
	v63 =	vmul.f32 v52, v14  }
0x89: {  	v24 =	vld.idx.msk [tilespmem:v0+s28+$0x4020 ss:$0x1], $0xffff;
	v33 =	vmul.f32 v8, v54;
	v60 =	vmul.f32 v59, v8  }
0x8a: {  	v52 =	vld.idx.msk [tilespmem:v0+s28+$0x1880 ss:$0x1], $0xffff;
	v59 =	vmul.f32 v50, v3;
	v50 =	vmul.f32 v29, v3  }
0x8b: {  	v54 =	vld.idx.msk [tilespmem:v0+s28+$0x2080 ss:$0x1], $0xffff;
	v37 =	vadd.f32 v63, v37;
	v38 =	vadd.f32 v33, v38;
	v39 =	vmul.f32 v39, v8  }
0x8c: {  	v45 =	vadd.f32 v60, v45;
	v60 =	vld.idx.msk [tilespmem:v0+s28+$0x2880 ss:$0x1], $0xffff;
	v63 =	vmul.f32 v7, v53;
	v33 =	vmul.f32 v46, v7  }
0x8d: {  	v29 =	vmul.f32 v47, v7;
	v47 =	vmul.f32 v12, v3;
	v12 =	vld.idx.msk [tilespmem:v0+s28+$0x2820 ss:$0x1], $0xffff  }
0x8e: {  	v51 =	vmul.f32 v28, v3;
	v53 =	vld.idx.msk [tilespmem:v0+s28+$0x3080 ss:$0x1], $0xffff;
	v38 =	vadd.f32 v63, v38;
	v28 =	vadd.f32 v33, v45  }
0x8f: {  	v39 =	vadd.f32 v39, v37;
	v45 =	vld.idx.msk [tilespmem:v0+s28+$0x4080 ss:$0x1], $0xffff;
	v33 =	vadd.f32 v29, v40;
	v63 =	vmul.f32 v52, v7  }
0x90: {  	[tilespmem:$0x1FF50] =	vst v31;
	v46 =	vimm.f32 $0.0e+00;
	v18 =	vadd.f32 v18, v38;
	v17 =	vadd.f32 v17, v28;
	v28 =	vld.idx.msk [tilespmem:v0+s28+$0x2000 ss:$0x1], $0xffff  }
0x91: {  	v19 =	vadd.f32 v63, v39;
	v39 =	vmul.f32 v11, v3;
	v11 =	vadd.f32 v16, v33;
	v16 =	vld.idx.msk [tilespmem:v0+s28+$0x2800 ss:$0x1], $0xffff  }
0x92: {  	v63 =	vmul.f32 v35, v4;
	v12 =	vmul.f32 v12, v15;
	v18 =	vadd.f32 v48, v18;
	v48 =	vld.idx.msk [tilespmem:v0+s28+$0x3000 ss:$0x1], $0xffff  }
0x93: {  	v60 =	vmul.f32 v60, v7;
	v17 =	vadd.f32 v49, v17;
	v49 =	vld.idx.msk [tilespmem:v0+s28+$0x3800 ss:$0x1], $0xffff;
	v13 =	vadd.f32 v13, v19  }
0x94: {  	v52 =	vld.idx.msk [tilespmem:v0+s28+$0x3020 ss:$0x1], $0xffff;
	v19 =	vmul.f32 v42, v4;
	v42 =	vadd.f32 v20, v30;
	v11 =	vadd.f32 v59, v11  }
0x95: {  	v29 =	vld.idx.msk [tilespmem:v0+s28+$0x2040 ss:$0x1], $0xffff;
	v59 =	vmul.f32 v54, v7;
	v54 =	vmul.f32 v22, v7;
	v38 =	vadd.f32 v55, v18  }
0x96: {  	v18 =	vld.idx.msk [tilespmem:v0+s28+$0x3820 ss:$0x1], $0xffff;
	v31 =	vadd.f32 v56, v17;
	v13 =	vadd.f32 v57, v13;
	v28 =	vmul.f32 v28, v20  }
0x97: {  	v17 =	vld.idx.msk [tilespmem:v0+s28+$0x2840 ss:$0x1], $0xffff;
	v37 =	vadd.f32 v58, v11;
	v16 =	vmul.f32 v16, v20;
	v41 =	vmul.f32 v48, v20  }
0x98: {  	v11 =	vld.idx.msk [tilespmem:v0+s28+$0x3040 ss:$0x1], $0xffff;
	v28 =	vadd.f32 v28, v30;
	v43 =	vmul.f32 v49, v20;
	v48 =	vmul.f32 v10, v4  }
0x99: {  	v33 =	vadd.f32 v44, v13;
	v13 =	vld.idx.msk [tilespmem:v0+s28+$0x3840 ss:$0x1], $0xffff;
	v10 =	vmul.f32 v52, v15;
	v49 =	vmul.f32 v9, v4  }
0x9a: {  	v44 =	vld.idx.msk [tilespmem:v0+s28+$0x5080 ss:$0x1], $0xffff;
	v52 =	vmul.f32 v6, v4;
	v16 =	vadd.f32 v16, v30;
	v27 =	vadd.f32 v27, v28  }
0x9b: {  	v56 =	vld.idx.msk [tilespmem:v0+s28+$0x2860 ss:$0x1], $0xffff;
	v28 =	vadd.f32 v41, v30;
	v55 =	vadd.f32 v43, v30;
	v18 =	vmul.f32 v18, v15  }
0x9c: {  	v57 =	vld.idx.msk [tilespmem:v0+s28+$0x3060 ss:$0x1], $0xffff;
	v17 =	vmul.f32 v17, v14;
	v43 =	vmul.f32 v61, v7;
	v12 =	vadd.f32 v12, v16  }
0x9d: {  	v16 =	vld.idx.msk [tilespmem:v0+s28+$0x2060 ss:$0x1], $0xffff;
	v11 =	vmul.f32 v11, v14;
	v10 =	vadd.f32 v10, v28;
	v28 =	vmul.f32 v29, v14  }
0x9e: {  	v58 =	vld.idx.msk [tilespmem:v0+s28+$0x3860 ss:$0x1], $0xffff;
	v29 =	vadd.f32 v15, v42;
	v18 =	vadd.f32 v18, v55;
	v13 =	vmul.f32 v13, v14  }
0x9f: {  	v41 =	vld.idx.msk [tilespmem:v0+s28+$0x4820 ss:$0x1], $0xffff;
	v12 =	vadd.f32 v17, v12;
	v55 =	vmul.f32 v44, v7;
	v27 =	vadd.f32 v28, v27  }
0xa0: {  	v17 =	vld.idx.msk [tilespmem:v0+s28+$0x5880 ss:$0x1], $0xffff;
	v9 =	vadd.f32 v14, v29;
	v10 =	vadd.f32 v11, v10;
	v28 =	vimm.f32 $0.0e+00  }
0xa1: {  	v11 =	vld.idx.msk [tilespmem:v0+s28+$0x6080 ss:$0x1], $0xffff;
	v13 =	vadd.f32 v13, v18;
	v18 =	vmul.f32 v23, v4;
	v23 =	vmul.f32 v57, v8  }
0xa2: {  	v29 =	vimm.f32 $0.0e+00;
	v6 =	vmul.f32 v16, v8;
	v16 =	vld.idx.msk [tilespmem:v0+s28+$0x6880 ss:$0x1], $0xffff;
	v9 =	vadd.f32 v8, v9  }
0xa3: {  	[tilespmem:$0x1FFD0] =	vst v18;
	v18 =	vmul.f32 v56, v8;
	v10 =	vadd.f32 v23, v10;
	v23 =	vmul.f32 v53, v7  }
0xa4: {  	[tilespmem:$0x1FFE0] =	vst v5;
	v42 =	vld.idx.msk [tilespmem:v0+s28+$0x4040 ss:$0x1], $0xffff;
	v53 =	vmul.f32 v45, v7;
	v45 =	vimm.f32 $0.0e+00;
	v5 =	vadd.f32 v6, v27  }
0xa5: {  	v6 =	vld.idx.msk [tilespmem:v0+s28+$0x4060 ss:$0x1], $0xffff;
	v9 =	vadd.f32 v7, v9;
	v27 =	vmul.f32 v58, v8;
	v56 =	vmul.f32 v17, v7  }
0xa6: {  	v57 =	vld.idx.msk [tilespmem:v0+s28+$0x4000 ss:$0x1], $0xffff;
	v12 =	vadd.f32 v18, v12;
	v44 =	vadd.f32 v23, v10;
	v61 =	vmul.f32 v11, v7  }
0xa7: {  	v17 =	vld.idx.msk [tilespmem:v0+s28+$0x4800 ss:$0x1], $0xffff;
	v11 =	vmul.f32 v24, v15;
	v9 =	vadd.f32 v4, v9;
	v13 =	vadd.f32 v27, v13  }
0xa8: {  	v27 =	vld.idx.msk [tilespmem:v0+s28+$0x4840 ss:$0x1], $0xffff;
	v5 =	vadd.f32 v59, v5;
	v12 =	vadd.f32 v60, v12;
	v60 =	vmul.f32 v16, v7  }
0xa9: {  	v18 =	vld.idx.msk [tilespmem:v0+s28+$0x4860 ss:$0x1], $0xffff;
	v16 =	vmul.f32 v42, v14;
	v42 =	vadd.f32 v19, v44;
	v9 =	vadd.f32 v3, v9  }
0xaa: {  	v19 =	vld.idx.msk [tilespmem:v0+s28+$0x5820 ss:$0x1], $0xffff;
	v13 =	vadd.f32 v43, v13;
	v5 =	vadd.f32 v26, v5;
	v6 =	vmul.f32 v6, v8  }
0xab: {  	v43 =	vld.idx.msk [tilespmem:v0+s28+$0x5000 ss:$0x1], $0xffff;
	v35 =	vadd.f32 v34, v12;
	v12 =	vmul.f32 v41, v15;
	v41 =	vmul.f32 v57, v20  }
0xac: {  	v34 =	vimm.f32 $0.0e+00;
	v9 =	vadd.f32 v1, v9;
	v44 =	vadd.f32 v36, v13;
	v13 =	vld.idx.msk [tilespmem:v0+s28+$0x5020 ss:$0x1], $0xffff  }
0xad: {  	v57 =	vadd.f32 v21, v5;
	v5 =	vld.idx.msk [tilespmem:v0+s28+$0x5040 ss:$0x1], $0xffff;
	v36 =	vimm.f32 $0.0e+00;
	v10 =	vmul.f32 v27, v14  }
0xae: {  	p0 =	por p1, p1;
	s29 =	simm.s32 $0x400;
	v58 =	vadd.f32 v25, v35;
	v35 =	vimm.f32 $0.0e+00;
	[tilespmem:$0x1FFF0] =	vst v9;
	v9 =	vmul.f32 v18, v8;
	v18 =	vld.idx.msk [tilespmem:v0+s28+$0x5800 ss:$0x1], $0xffff  }
.LBB2_3:
0xaf: {  	v21 =	vld [tilespmem:$0x1FF10];
	_ =	sdelay $0x4  }
0xb0: {  	v21 =	vadd.f32 v21, v57;
	_ =	sdelay $0x1  }
0xb1: {  	[tilespmem:$0x1FE40] =	vst v21;
	v21 =	vld [tilespmem:$0x1FF20];
	_ =	sdelay $0x4  }
0xb2: {  	v21 =	vadd.f32 v21, v58;
	_ =	sdelay $0x1  }
0xb3: {  	[tilespmem:$0x1FE50] =	vst v21;
	v21 =	vld [tilespmem:$0x1FF30];
	_ =	sdelay $0x1  }
0xb4: {  	v30 =	vadd.f32 v41, v30  }
0xb5: {  	v42 =	vadd.f32 v50, v42  }
0xb6: {  	v11 =	vadd.f32 v11, v30  }
0xb7: {  	v44 =	vadd.f32 v51, v44;
	v17 =	vmul.f32 v17, v20;
	v21 =	vadd.f32 v21, v42  }
0xb8: {  	v11 =	vadd.f32 v16, v11  }
0xb9: {  	v17 =	vadd.f32 v17, v28;
	[tilespmem:$0x1FE60] =	vst v21;
	v21 =	vadd.f32 v32, v44  }
0xba: {  	v6 =	vadd.f32 v6, v11  }
0xbb: {  	v12 =	vadd.f32 v12, v17;
	[tilespmem:$0x1FE70] =	vst v21;
	v21 =	vld [tilespmem:$0x1FF90]  }
0xbc: {  	v43 =	vmul.f32 v43, v20;
	v6 =	vadd.f32 v53, v6  }
0xbd: {  	v40 =	vld.idx.msk [tilespmem:v0+s28+$0x5060 ss:$0x1], $0xffff;
	v10 =	vadd.f32 v10, v12  }
0xbe: {  	v13 =	vmul.f32 v13, v15;
	v43 =	vadd.f32 v43, v34;
	v6 =	vadd.f32 v63, v6  }
0xbf: {  	v59 =	vld.idx.msk [tilespmem:v0+s28+$0x5840 ss:$0x1], $0xffff;
	v9 =	vadd.f32 v9, v10  }
0xc0: {  	v5 =	vmul.f32 v5, v14;
	v13 =	vadd.f32 v13, v43;
	v6 =	vadd.f32 v21, v6;
	v21 =	vld [tilespmem:$0x1FFA0]  }
0xc1: {  	v18 =	vmul.f32 v18, v20;
	v9 =	vadd.f32 v54, v9  }
0xc2: {  	[tilespmem:$0x1FDC0] =	vst v31;
	v31 =	vld.idx.msk [tilespmem:v0+s28+$0x5860 ss:$0x1], $0xffff;
	v12 =	vmul.f32 v40, v8;
	v5 =	vadd.f32 v5, v13  }
0xc3: {  	v19 =	vmul.f32 v19, v15;
	v18 =	vadd.f32 v18, v29;
	v9 =	vadd.f32 v48, v9  }
0xc4: {  	v5 =	vadd.f32 v12, v5  }
0xc5: {  	v18 =	vadd.f32 v19, v18;
	v19 =	vmul.f32 v59, v14;
	v9 =	vadd.f32 v21, v9;
	v21 =	vld [tilespmem:$0x1FFB0]  }
0xc6: {  	v5 =	vadd.f32 v55, v5  }
0xc7: {  	v13 =	vadd.f32 v19, v18;
	v18 =	vmul.f32 v31, v8  }
0xc8: {  	v5 =	vadd.f32 v49, v5  }
0xc9: {  	v12 =	vadd.f32 v18, v13  }
0xca: {  	v5 =	vadd.f32 v21, v5;
	v21 =	vld [tilespmem:$0x1FFC0]  }
0xcb: {  	v12 =	vadd.f32 v56, v12;
	_ =	sdelay $0x1  }
0xcc: {  	v12 =	vadd.f32 v52, v12;
	_ =	sdelay $0x1  }
0xcd: {  	v12 =	vadd.f32 v21, v12;
	v21 =	vld [tilespmem:$0x1FF40];
	_ =	sdelay $0x4  }
0xce: {  	v19 =	vld.idx.msk [tilespmem:v0+s28+$0x6000 ss:$0x1], $0xffff;
	v6 =	vadd.f32 v21, v6  }
0xcf: {  	v11 =	vld.idx.msk [tilespmem:v0+s28+$0x6800 ss:$0x1], $0xffff  }
0xd0: {  	[tilespmem:$0x1FED0] =	vst v6;
	v6 =	vld [tilespmem:$0x1FF50]  }
0xd1: {  	v31 =	vld.idx.msk [tilespmem:v0+s28+$0x7800 ss:$0x1], $0xffff  }
0xd2: {  	v18 =	vld.idx.msk [tilespmem:v0+s28+$0x7000 ss:$0x1], $0xffff;
	_ =	sdelay $0x2  }
0xd3: {  	v6 =	vadd.f32 v6, v9  }
0xd4: {  	v19 =	vmul.f32 v19, v20;
	v11 =	vmul.f32 v11, v20  }
0xd5: {  	v18 =	vmul.f32 v18, v20;
	[tilespmem:$0x1FEB0] =	vst v6;
	v6 =	vmul.f32 v31, v20;
	v20 =	vld [tilespmem:$0x1FF60];
	_ =	sdelay $0x2  }
0xd6: {  	v51 =	vld.idx.msk [tilespmem:v0+s28+$0x6020 ss:$0x1], $0xffff  }
0xd7: {  	v57 =	vld.idx.msk [tilespmem:v0+s28+$0x7040 ss:$0x1], $0xffff  }
0xd8: {  	v30 =	vld.idx.msk [tilespmem:v0+s28+$0x6840 ss:$0x1], $0xffff;
	v5 =	vadd.f32 v20, v5  }
0xd9: {  	v16 =	vld.idx.msk [tilespmem:v0+s28+$0x6820 ss:$0x1], $0xffff  }
0xda: {  	[tilespmem:$0x1FEA0] =	vst v5;
	v5 =	vld [tilespmem:$0x1FF70]  }
0xdb: {  	v17 =	vld.idx.msk [tilespmem:v0+s28+$0x6040 ss:$0x1], $0xffff  }
0xdc: {  	v55 =	vld.idx.msk [tilespmem:v0+s28+$0x7020 ss:$0x1], $0xffff  }
0xdd: {  	v59 =	vld.idx.msk [tilespmem:v0+s28+$0x7060 ss:$0x1], $0xffff  }
0xde: {  	v16 =	vmul.f32 v16, v15;
	v56 =	vld.idx.msk [tilespmem:v0+s28+$0x7820 ss:$0x1], $0xffff;
	v11 =	vadd.f32 v11, v46  }
0xdf: {  	v44 =	vld.idx.msk [tilespmem:v0+s28+$0x6860 ss:$0x1], $0xffff;
	v5 =	vadd.f32 v5, v12  }
0xe0: {  	v30 =	vmul.f32 v30, v14;
	v58 =	vld.idx.msk [tilespmem:v0+s28+$0x7840 ss:$0x1], $0xffff;
	v54 =	vmul.f32 v51, v15;
	v11 =	vadd.f32 v16, v11  }
0xe1: {  	v18 =	vadd.f32 v18, v36;
	v12 =	vmul.f32 v55, v15;
	[tilespmem:$0x1FEC0] =	vst v5;
	v5 =	vadd.f32 v19, v45  }
0xe2: {  	v17 =	vmul.f32 v17, v14;
	v11 =	vadd.f32 v30, v11;
	v19 =	vld.idx.msk [tilespmem:v0+s28+$0x7080 ss:$0x1], $0xffff  }
0xe3: {  	v42 =	vld.idx.msk [tilespmem:v0+s28+$0x6060 ss:$0x1], $0xffff;
	v16 =	vmul.f32 v57, v14;
	v12 =	vadd.f32 v12, v18;
	v5 =	vadd.f32 v54, v5  }
0xe4: {  	v13 =	vmul.f32 v44, v8;
	v21 =	vld.idx.msk [tilespmem:v0+s28+$0x70A0 ss:$0x1], $0xffff;
	v6 =	vadd.f32 v6, v35;
	v15 =	vmul.f32 v56, v15  }
0xe5: {  	v9 =	vld.idx.msk [tilespmem:v0+s28+$0x7860 ss:$0x1], $0xffff;
	v12 =	vadd.f32 v16, v12;
	v5 =	vadd.f32 v17, v5;
	v17 =	vmul.f32 v59, v8  }
0xe6: {  	v11 =	vadd.f32 v13, v11;
	v20 =	vld.idx.msk [tilespmem:v0+s28+$0x7880 ss:$0x1], $0xffff  }
0xe7: {  	v6 =	vadd.f32 v15, v6;
	v15 =	vld.idx.msk [tilespmem:v0+s28+$0x78A0 ss:$0x1], $0xffff;
	v13 =	vmul.f32 v19, v7;
	v12 =	vadd.f32 v17, v12  }
0xe8: {  	v14 =	vmul.f32 v58, v14;
	v10 =	vmul.f32 v42, v8;
	v18 =	vld.idx.msk [tilespmem:v0+s28+$0x70C0 ss:$0x1], $0xffff  }
0xe9: {  	v12 =	vadd.f32 v13, v12;
	v13 =	vld [tilespmem:$0x1FFD0]  }
0xea: {  	v6 =	vadd.f32 v14, v6;
	v14 =	vld.idx.msk [tilespmem:v0+s28+$0x70E0 ss:$0x1], $0xffff;
	v10 =	vadd.f32 v10, v5  }
0xeb: {  	v16 =	vld.idx.msk [tilespmem:v0+s28+$0x78E0 ss:$0x1], $0xffff  }
0xec: {  	v8 =	vmul.f32 v9, v8;
	v9 =	vld.idx.msk [tilespmem:v0+s28+$0x78C0 ss:$0x1], $0xffff;
	s28 =	sshra.s32 s29, $0x2;
	v10 =	vadd.f32 v61, v10  }
0xed: {  	v19 =	vld.idx.msk [tilespmem:v0+s28+$0x8C0 ss:$0x1], $0xffff  }
0xee: {  	v10 =	vadd.f32 v13, v10;
	v13 =	vld [tilespmem:$0x1FFE0]  }
0xef: {  	v7 =	vmul.f32 v20, v7;
	v20 =	vld.idx.msk [tilespmem:v0+s28+$0x10C0 ss:$0x1], $0xffff  }
0xf0: {  	v28 =	vld.idx.msk [tilespmem:v0+s28+$0x18C0 ss:$0x1], $0xffff;
	v8 =	vadd.f32 v8, v6  }
0xf1: {  	[tilespmem:$0x1FDD0] =	vst v37;
	v11 =	vadd.f32 v60, v11;
	v29 =	vld.idx.msk [tilespmem:v0+s28+$0x20C0 ss:$0x1], $0xffff  }
0xf2: {  	v37 =	vld.idx.msk [tilespmem:v0+s28+$0x28C0 ss:$0x1], $0xffff;
	v17 =	vmul.f32 v21, v4;
	v4 =	vmul.f32 v15, v4;
	v7 =	vadd.f32 v7, v8  }
0xf3: {  	[tilespmem:$0x1FDB0] =	vst v38;
	v38 =	vld.idx.msk [tilespmem:v0+s28+$0x30C0 ss:$0x1], $0xffff;
	v11 =	vadd.f32 v13, v11  }
0xf4: {  	v40 =	vld.idx.msk [tilespmem:v0+s28+$0x40C0 ss:$0x1], $0xffff;
	v4 =	vadd.f32 v4, v7;
	v13 =	vmul.f32 v18, v3;
	v3 =	vmul.f32 v9, v3  }
0xf5: {  	v60 =	vld.idx.msk [tilespmem:v0+s28+$0x48C0 ss:$0x1], $0xffff;
	v9 =	vadd.f32 v39, v10;
	v10 =	vadd.f32 v47, v11  }
0xf6: {  	v63 =	vld.idx.msk [tilespmem:v0+s28+$0x60C0 ss:$0x1], $0xffff;
	v11 =	vmul.f32 v14, v1;
	v3 =	vadd.f32 v3, v4;
	v1 =	vmul.f32 v16, v1  }
0xf7: {  	v48 =	vld.idx.msk [tilespmem:v0+s28+$0xA0 ss:$0x1], $0xffff  }
0xf8: {  	v49 =	vld.idx.msk [tilespmem:v0+s28+$0x8A0 ss:$0x1], $0xffff;
	v1 =	vadd.f32 v1, v3  }
0xf9: {  	v52 =	vld.idx.msk [tilespmem:v0+s28+$0x10A0 ss:$0x1], $0xffff  }
0xfa: {  	[tilespmem:$0x1FE10] =	vst v1;
	v1 =	vld.idx.msk [tilespmem:v2+s28+$0x0 ss:$0x1], $0xffff  }
0xfb: {  	v22 =	vld.idx.msk [tilespmem:v2+s28+$0xFFFFFFA0 ss:$0x1], $0xffff  }
0xfc: {  	v30 =	vld.idx.msk [tilespmem:v2+s28+$0xFFFFFF80 ss:$0x1], $0xffff  }
0xfd: {  	v31 =	vld.idx.msk [tilespmem:v2+s28+$0xFFFFFF60 ss:$0x1], $0xffff  }
0xfe: {  	v26 =	vld.idx.msk [tilespmem:v2+s28+$0xFFFFFF40 ss:$0x1], $0xffff  }
0xff: {  	v21 =	vld.idx.msk [tilespmem:v2+s28+$0xFFFFFFC0 ss:$0x1], $0xffff;
	v9 =	vadd.f32 v62, v9;
	v1 =	vmul.f32 $1.442695020e+00, v1  }
0x100: {  	v3 =	vld.idx.msk [tilespmem:v2+s28+$0xFFFFFFE0 ss:$0x1], $0xffff  }
0x101: {  	[tilespmem:$0x1FDF0] =	vst v9;
	v9 =	vld [tilespmem:$0x1FF80];
	(erf) = vpow2.f32 v1  }
0x102: {  	v53 =	vld.idx.msk [tilespmem:v0+s28+$0x18A0 ss:$0x1], $0xffff  }
0x103: {  	v54 =	vld.idx.msk [tilespmem:v0+s28+$0x20A0 ss:$0x1], $0xffff  }
0x104: {  	v5 =	vld.idx.msk [tilespmem:v0+s28+$0xE0 ss:$0x1], $0xffff;
	v12 =	vadd.f32 v17, v12  }
0x105: {  	v3 =	vmul.f32 $1.442695020e+00, v3;
	v1 =	vld.idx.msk [tilespmem:v2+s28+$0xFFFFFF20 ss:$0x1], $0xffff  }
0x106: {  	v21 =	vmul.f32 $1.442695020e+00, v21;
	v14 =	vld.idx.msk [tilespmem:v0+s28+$0x28E0 ss:$0x1], $0xffff;
	v12 =	vadd.f32 v13, v12;
	v9 =	vadd.f32 v9, v10  }
0x107: {  	v36 =	vld.idx.msk [tilespmem:v0+s28+$0x28A0 ss:$0x1], $0xffff;
	v22 =	vmul.f32 $1.442695020e+00, v22;
	(erf) = vpow2.f32 v3  }
0x108: {  	v10 =	vadd.f32 v11, v12;
	[tilespmem:$0x1FE00] =	vst v9;
	v9 =	vld.idx.msk [tilespmem:v0+s28+$0x38E0 ss:$0x1], $0xffff;
	v3 =	vmul.f32 $1.442695020e+00, v30;
	(erf) = vpow2.f32 v21  }
0x109: {  	v56 =	vld.idx.msk [tilespmem:v0+s28+$0x30A0 ss:$0x1], $0xffff;
	(erf) = vpow2.f32 v22  }
0x10a: {  	[tilespmem:$0x1FE90] =	vst v10;
	v10 =	vld.idx.msk [tilespmem:v0+s28+$0x40E0 ss:$0x1], $0xffff;
	(erf) = vpow2.f32 v3;
	v3 =	vmul.f32 $1.442695020e+00, v1;
	v1 =	vpop (erf)  }
0x10b: {  	v23 =	vld.idx.msk [tilespmem:v0+s28+$0x38A0 ss:$0x1], $0xffff;
	v59 =	vmul.f32 v1, v5;
	v5 =	vmul.f32 v14, v1  }
0x10c: {  	v11 =	vld.idx.msk [tilespmem:v0+s28+$0x48E0 ss:$0x1], $0xffff  }
0x10d: {  	v24 =	vld.idx.msk [tilespmem:v0+s28+$0x40A0 ss:$0x1], $0xffff;
	[tilespmem:$0x1FF20] =	vst v5;
	v5 =	vmul.f32 v9, v1  }
0x10e: {  	v12 =	vld.idx.msk [tilespmem:v0+s28+$0x50E0 ss:$0x1], $0xffff  }
0x10f: {  	v25 =	vld.idx.msk [tilespmem:v0+s28+$0x58A0 ss:$0x1], $0xffff;
	[tilespmem:$0x1FE80] =	vst v5;
	v5 =	vmul.f32 v10, v1  }
0x110: {  	v13 =	vld.idx.msk [tilespmem:v0+s28+$0x58E0 ss:$0x1], $0xffff  }
0x111: {  	v27 =	vld.idx.msk [tilespmem:v0+s28+$0x68A0 ss:$0x1], $0xffff;
	[tilespmem:$0x1FF40] =	vst v5;
	v5 =	vmul.f32 v11, v1  }
0x112: {  	v16 =	vld.idx.msk [tilespmem:v0+s28+$0x60E0 ss:$0x1], $0xffff  }
0x113: {  	v32 =	vld.idx.msk [tilespmem:v0+s28+$0x4080 ss:$0x1], $0xffff;
	[tilespmem:$0x1FF50] =	vst v5;
	v5 =	vmul.f32 v12, v1  }
0x114: {  	[tilespmem:$0x1FDE0] =	vst v33;
	v17 =	vld.idx.msk [tilespmem:v0+s28+$0x68E0 ss:$0x1], $0xffff  }
0x115: {  	v33 =	vld.idx.msk [tilespmem:v0+s28+$0x4880 ss:$0x1], $0xffff;
	[tilespmem:$0x1FF60] =	vst v5;
	v5 =	vmul.f32 v13, v1  }
0x116: {  	v45 =	vld.idx.msk [tilespmem:v0+s28+$0x5080 ss:$0x1], $0xffff;
	v21 =	vmul.f32 $1.442695020e+00, v31  }
0x117: {  	v46 =	vld.idx.msk [tilespmem:v0+s28+$0x5880 ss:$0x1], $0xffff;
	v22 =	vmul.f32 $1.442695020e+00, v26;
	[tilespmem:$0x1FF70] =	vst v5;
	v5 =	vmul.f32 v16, v1  }
0x118: {  	v34 =	vld.idx.msk [tilespmem:v0+s28+$0x6080 ss:$0x1], $0xffff;
	(erf) = vpow2.f32 v21  }
0x119: {  	v35 =	vld.idx.msk [tilespmem:v0+s28+$0x6880 ss:$0x1], $0xffff;
	(erf) = vpow2.f32 v22;
	[tilespmem:$0x1FEE0] =	vst v5;
	v5 =	vmul.f32 v17, v1  }
0x11a: {  	v6 =	vld.idx.msk [tilespmem:v0+s28+$0x8E0 ss:$0x1], $0xffff;
	(erf) = vpow2.f32 v3;
	v3 =	vpop (erf)  }
0x11b: {  	v15 =	vld.idx.msk [tilespmem:v0+s28+$0x18E0 ss:$0x1], $0xffff;
	[tilespmem:$0x1FF80] =	vst v5;
	v5 =	vmul.f32 v29, v3  }
0x11c: {  	v8 =	vld.idx.msk [tilespmem:v0+s28+$0x10E0 ss:$0x1], $0xffff  }
0x11d: {  	v61 =	vld.idx.msk [tilespmem:v0+s28+$0x50C0 ss:$0x1], $0xffff;
	[tilespmem:$0x1FEF0] =	vst v5;
	v5 =	vmul.f32 v37, v3  }
0x11e: {  	v7 =	vld.idx.msk [tilespmem:v0+s28+$0x20E0 ss:$0x1], $0xffff  }
0x11f: {  	v18 =	vld.idx.msk [tilespmem:v0+s28+$0xC0 ss:$0x1], $0xffff;
	[tilespmem:$0x1FF00] =	vst v5;
	v5 =	vmul.f32 v40, v3  }
0x120: {  	v62 =	vld.idx.msk [tilespmem:v0+s28+$0x58C0 ss:$0x1], $0xffff  }
0x121: {  	v4 =	vld.idx.msk [tilespmem:v0+s28+$0x30E0 ss:$0x1], $0xffff;
	[tilespmem:$0x1FF90] =	vst v5;
	v5 =	vmul.f32 v60, v3  }
0x122: {  	v39 =	vld.idx.msk [tilespmem:v0+s28+$0x38C0 ss:$0x1], $0xffff;
	v58 =	vmul.f32 v6, v1  }
0x123: {  	v47 =	vld.idx.msk [tilespmem:v0+s28+$0x68C0 ss:$0x1], $0xffff;
	v30 =	vmul.f32 v8, v1;
	[tilespmem:$0x1FFA0] =	vst v5;
	v5 =	vmul.f32 v61, v3  }
0x124: {  	v31 =	vld.idx.msk [tilespmem:v0+s28+$0x880 ss:$0x1], $0xffff;
	v8 =	vmul.f32 v15, v1;
	v6 =	vmul.f32 v7, v1  }
0x125: {  	v26 =	vld.idx.msk [tilespmem:v0+s28+$0x60A0 ss:$0x1], $0xffff;
	[tilespmem:$0x1FFB0] =	vst v5;
	v5 =	vmul.f32 v62, v3  }
0x126: {  	v21 =	vld.idx.msk [tilespmem:v0+s28+$0x48A0 ss:$0x1], $0xffff;
	[tilespmem:$0x1FF10] =	vst v6;
	v6 =	vmul.f32 v4, v1;
	v4 =	vpop (erf)  }
0x127: {  	v7 =	vpop (erf);
	[tilespmem:$0x1FFC0] =	vst v5;
	v5 =	vmul.f32 v23, v4;
	v23 =	vld [tilespmem:$0x1FFF0]  }
0x128: {  	v22 =	vld.idx.msk [tilespmem:v0+s28+$0x50A0 ss:$0x1], $0xffff;
	[tilespmem:$0x1FE30] =	vst v8;
	v8 =	vpop (erf)  }
0x129: {  	v50 =	vmul.f32 v38, v3;
	v38 =	vld.idx.msk [tilespmem:v0+s28+$0x0 ss:$0x1], $0xffff;
	v14 =	vpop (erf)  }
0x12a: {  	v51 =	vmul.f32 v39, v3;
	v39 =	vld.idx.msk [tilespmem:v0+s28+$0x800 ss:$0x1], $0xffff;
	[tilespmem:$0x1FE20] =	vst v30;
	v15 =	vpop (erf)  }
0x12b: {  	v43 =	vmul.f32 v3, v18;
	v30 =	vld.idx.msk [tilespmem:v0+s28+$0x80 ss:$0x1], $0xffff;
	[tilespmem:$0x1FF30] =	vst v6;
	v6 =	vmul.f32 v20, v3;
	v20 =	vpop (erf)  }
0x12c: {  	v44 =	vmul.f32 v19, v3;
	v9 =	vmul.f32 v28, v3;
	v28 =	vld.idx.msk [tilespmem:v0+s28+$0x3080 ss:$0x1], $0xffff;
	v23 =	vadd.f32 v20, v23  }
0x12d: {  	v18 =	vmul.f32 v4, v48;
	v42 =	vmul.f32 v36, v4;
	v36 =	vld.idx.msk [tilespmem:v0+s28+$0x60 ss:$0x1], $0xffff  }
0x12e: {  	v19 =	vmul.f32 v49, v4;
	v48 =	vmul.f32 v21, v4;
	v21 =	vld.idx.msk [tilespmem:v0+s28+$0x40 ss:$0x1], $0xffff;
	v23 =	vadd.f32 v15, v23  }
0x12f: {  	v49 =	vmul.f32 v22, v4;
	v22 =	vmul.f32 v26, v4;
	v26 =	vld.idx.msk [tilespmem:v0+s28+$0x20 ss:$0x1], $0xffff  }
0x130: {  	v10 =	vld.idx.msk [tilespmem:v0+s28+$0x1080 ss:$0x1], $0xffff;
	v23 =	vadd.f32 v14, v23  }
0x131: {  	v41 =	vmul.f32 v54, v4;
	v54 =	vmul.f32 v33, v7;
	v33 =	vld.idx.msk [tilespmem:v0+s28+$0x1820 ss:$0x1], $0xffff  }
0x132: {  	v55 =	vmul.f32 v45, v7;
	v45 =	vld.idx.msk [tilespmem:v0+s28+$0x1860 ss:$0x1], $0xffff;
	v23 =	vadd.f32 v8, v23  }
0x133: {  	v57 =	vmul.f32 v56, v4;
	v56 =	vmul.f32 v46, v7;
	v46 =	vld [tilespmem:$0x1FDC0]  }
0x134: {  	v11 =	vld.idx.msk [tilespmem:v0+s28+$0x1880 ss:$0x1], $0xffff;
	v23 =	vadd.f32 v7, v23  }
0x135: {  	[tilespmem:$0x1FFD0] =	vst v22;
	v22 =	vmul.f32 v27, v4;
	v12 =	vld.idx.msk [tilespmem:v0+s28+$0x2080 ss:$0x1], $0xffff  }
0x136: {  	v27 =	vmul.f32 v7, v30;
	v30 =	vmul.f32 v31, v7;
	v31 =	vld.idx.msk [tilespmem:v0+s28+$0x820 ss:$0x1], $0xffff;
	v23 =	vadd.f32 v4, v23  }
0x137: {  	v13 =	vld.idx.msk [tilespmem:v0+s28+$0x2880 ss:$0x1], $0xffff  }
0x138: {  	v16 =	vmul.f32 v52, v4;
	v52 =	vmul.f32 v25, v4;
	v25 =	vld.idx.msk [tilespmem:v0+s28+$0x840 ss:$0x1], $0xffff;
	v23 =	vadd.f32 v3, v23  }
0x139: {  	[tilespmem:$0x1FFE0] =	vst v22;
	v21 =	vmul.f32 v14, v21;
	v22 =	vmul.f32 v10, v7;
	v37 =	vld.idx.msk [tilespmem:v0+s28+$0x860 ss:$0x1], $0xffff  }
0x13a: {  	v10 =	vmul.f32 v12, v7;
	v12 =	vmul.f32 v28, v7;
	v28 =	vld.idx.msk [tilespmem:v0+s28+$0x1000 ss:$0x1], $0xffff;
	v23 =	vadd.f32 v1, v23  }
0x13b: {  	v17 =	vmul.f32 v53, v4;
	v53 =	vmul.f32 v32, v7;
	v32 =	vld.idx.msk [tilespmem:v0+s28+$0x1020 ss:$0x1], $0xffff  }
0x13c: {  	v26 =	vmul.f32 v15, v26;
	v38 =	vmul.f32 v20, v38;
	[tilespmem:$0x1FFF0] =	vst v23;
	v23 =	vld [tilespmem:$0x1FDB0]  }
0x13d: {  	v39 =	vmul.f32 v39, v20;
	v31 =	vmul.f32 v31, v15;
	v29 =	vld.idx.msk [tilespmem:v0+s28+$0x3880 ss:$0x1], $0xffff  }
0x13e: {  	v40 =	vld.idx.msk [tilespmem:v0+s28+$0x1060 ss:$0x1], $0xffff;
	v60 =	vmul.f32 v35, v7;
	v35 =	vmul.f32 v37, v8  }
0x13f: {  	v61 =	vmul.f32 v34, v7;
	v34 =	vmul.f32 v8, v36;
	v36 =	vld.idx.msk [tilespmem:v0+s28+$0x1040 ss:$0x1], $0xffff  }
0x140: {  	v37 =	vld.idx.msk [tilespmem:v0+s28+$0x1840 ss:$0x1], $0xffff;
	v62 =	vmul.f32 v63, v3;
	v63 =	vmul.f32 v24, v4  }
0x141: {  	v24 =	vmul.f32 v11, v7;
	v23 =	vadd.f32 v38, v23;
	v38 =	vadd.f32 v39, v46;
	v46 =	vld [tilespmem:$0x1FDD0]  }
0x142: {  	v11 =	vmul.f32 v13, v7;
	v13 =	vmul.f32 v29, v7;
	v29 =	vld.idx.msk [tilespmem:v0+s28+$0x1800 ss:$0x1], $0xffff  }
0x143: {  	v25 =	vmul.f32 v25, v14;
	v39 =	vld.idx.msk [tilespmem:v0+s28+$0x2060 ss:$0x1], $0xffff;
	v23 =	vadd.f32 v26, v23;
	v26 =	vadd.f32 v31, v38  }
0x144: {  	v28 =	vmul.f32 v28, v20;
	v31 =	vmul.f32 v36, v14;
	v36 =	vld.idx.msk [tilespmem:v0+s28+$0x2040 ss:$0x1], $0xffff  }
0x145: {  	v21 =	vadd.f32 v21, v23;
	v23 =	vadd.f32 v25, v26;
	v26 =	vld.idx.msk [tilespmem:v0+s28+$0x2820 ss:$0x1], $0xffff  }
0x146: {  	v32 =	vmul.f32 v32, v15;
	v28 =	vadd.f32 v28, v46;
	v46 =	vld [tilespmem:$0x1FDE0]  }
0x147: {  	v25 =	vmul.f32 v40, v8;
	v40 =	vld.idx.msk [tilespmem:v0+s28+$0x3040 ss:$0x1], $0xffff;
	v21 =	vadd.f32 v34, v21  }
0x148: {  	v23 =	vadd.f32 v35, v23;
	v35 =	vld.idx.msk [tilespmem:v0+s28+$0x2800 ss:$0x1], $0xffff;
	v28 =	vadd.f32 v32, v28  }
0x149: {  	v29 =	vmul.f32 v29, v20;
	v32 =	vmul.f32 v37, v14;
	v37 =	vld.idx.msk [tilespmem:v0+s28+$0x2020 ss:$0x1], $0xffff;
	v21 =	vadd.f32 v27, v21  }
0x14a: {  	v33 =	vmul.f32 v33, v15;
	v23 =	vadd.f32 v30, v23;
	v27 =	vld.idx.msk [tilespmem:v0+s28+$0x3800 ss:$0x1], $0xffff;
	v28 =	vadd.f32 v31, v28  }
0x14b: {  	v31 =	vmul.f32 v45, v8;
	v45 =	vld [tilespmem:$0x1FDF0];
	v29 =	vadd.f32 v29, v46;
	v18 =	vadd.f32 v18, v21  }
0x14c: {  	v46 =	vld.idx.msk [tilespmem:v0+s28+$0x2860 ss:$0x1], $0xffff;
	v19 =	vadd.f32 v19, v23;
	v25 =	vadd.f32 v25, v28  }
0x14d: {  	v23 =	vld.idx.msk [tilespmem:v0+s28+$0x3820 ss:$0x1], $0xffff;
	v29 =	vadd.f32 v33, v29;
	v18 =	vadd.f32 v43, v18  }
0x14e: {  	v33 =	vld.idx.msk [tilespmem:v0+s28+$0x2840 ss:$0x1], $0xffff;
	v22 =	vadd.f32 v22, v25  }
0x14f: {  	v29 =	vadd.f32 v32, v29;
	v38 =	vadd.f32 v59, v18;
	v18 =	vmul.f32 v27, v20;
	v27 =	vld [tilespmem:$0x1FE20]  }
0x150: {  	v43 =	vmul.f32 v35, v20;
	v35 =	vld [tilespmem:$0x1FE10];
	v16 =	vadd.f32 v16, v22  }
0x151: {  	v19 =	vadd.f32 v44, v19;
	v44 =	vld.idx.msk [tilespmem:v0+s28+$0x3840 ss:$0x1], $0xffff;
	v28 =	vadd.f32 v31, v29  }
0x152: {  	v25 =	vld.idx.msk [tilespmem:v0+s28+$0x4020 ss:$0x1], $0xffff;
	v6 =	vadd.f32 v6, v16  }
0x153: {  	v31 =	vld.idx.msk [tilespmem:v0+s28+$0x3000 ss:$0x1], $0xffff;
	v24 =	vadd.f32 v24, v28  }
0x154: {  	v34 =	vmul.f32 v39, v8;
	v39 =	vmovc v62;
	v62 =	vmul.f32 v37, v15;
	v37 =	vadd.f32 v27, v6;
	v6 =	vld [tilespmem:$0x1FE30]  }
0x155: {  	v32 =	vld.idx.msk [tilespmem:v0+s28+$0x2000 ss:$0x1], $0xffff;
	v17 =	vadd.f32 v17, v24  }
0x156: {  	v27 =	vld [tilespmem:$0x1FE60]  }
0x157: {  	v28 =	vld.idx.msk [tilespmem:v0+s28+$0x3020 ss:$0x1], $0xffff;
	v9 =	vadd.f32 v9, v17  }
0x158: {  	v17 =	vld.idx.msk [tilespmem:v0+s28+$0x3060 ss:$0x1], $0xffff  }
0x159: {  	v30 =	vmul.f32 v33, v14;
	v16 =	vmul.f32 v31, v20;
	v33 =	vadd.f32 v6, v9;
	v6 =	vld [tilespmem:$0x1FE40]  }
0x15a: {  	v9 =	vld [tilespmem:$0x1FE50]  }
0x15b: {  	v16 =	vadd.f32 v16, v27;
	v27 =	vld [tilespmem:$0x1FE70]  }
0x15c: {  	v59 =	vld.idx.msk [tilespmem:v0+s28+$0x4040 ss:$0x1], $0xffff;
	v22 =	vmul.f32 v32, v20  }
0x15d: {  	v36 =	vmul.f32 v36, v14;
	v29 =	vmul.f32 v46, v8;
	v46 =	vld [tilespmem:$0x1FE00]  }
0x15e: {  	v21 =	vmul.f32 v26, v15;
	v23 =	vmul.f32 v23, v15;
	v32 =	vld [tilespmem:$0x1FE80];
	v6 =	vadd.f32 v22, v6  }
0x15f: {  	v31 =	vadd.f32 v58, v19;
	v19 =	vld.idx.msk [tilespmem:v0+s28+$0x3860 ss:$0x1], $0xffff;
	v9 =	vadd.f32 v43, v9;
	v22 =	vmul.f32 v28, v15  }
0x160: {  	v58 =	vld.idx.msk [tilespmem:v0+s28+$0x4060 ss:$0x1], $0xffff;
	v18 =	vadd.f32 v18, v27;
	v28 =	vmul.f32 v17, v8;
	v6 =	vadd.f32 v62, v6  }
0x161: {  	v27 =	vld.idx.msk [tilespmem:v0+s28+$0x4860 ss:$0x1], $0xffff;
	v9 =	vadd.f32 v21, v9;
	v21 =	vmul.f32 v40, v14;
	v16 =	vadd.f32 v22, v16  }
0x162: {  	v17 =	vld.idx.msk [tilespmem:v0+s28+$0x4800 ss:$0x1], $0xffff;
	v18 =	vadd.f32 v23, v18;
	v22 =	vmul.f32 v44, v14;
	v6 =	vadd.f32 v36, v6  }
0x163: {  	v16 =	vadd.f32 v21, v16;
	v21 =	vld.idx.msk [tilespmem:v0+s28+$0x4000 ss:$0x1], $0xffff  }
0x164: {  	v43 =	vld.idx.msk [tilespmem:v0+s28+$0x5000 ss:$0x1], $0xffff;
	v18 =	vadd.f32 v22, v18;
	v22 =	vadd.f32 v34, v6  }
0x165: {  	v23 =	vld.idx.msk [tilespmem:v0+s28+$0x4840 ss:$0x1], $0xffff  }
0x166: {  	v36 =	vld [tilespmem:$0x1FE90];
	v9 =	vadd.f32 v30, v9;
	v22 =	vadd.f32 v10, v22  }
0x167: {  	v30 =	vld.idx.msk [tilespmem:v0+s28+$0x4820 ss:$0x1], $0xffff  }
0x168: {  	v29 =	vadd.f32 v29, v9;
	v22 =	vadd.f32 v41, v22;
	v41 =	vmul.f32 v21, v20;
	v21 =	vld [tilespmem:$0x1FEF0]  }
0x169: {  	v19 =	vmul.f32 v19, v8;
	v34 =	vld [tilespmem:$0x1FEA0];
	v62 =	vadd.f32 v28, v16  }
0x16a: {  	v6 =	vmul.f32 v58, v8;
	v28 =	vld [tilespmem:$0x1FEB0];
	v58 =	vadd.f32 v11, v29  }
0x16b: {  	v19 =	vadd.f32 v19, v18;
	v18 =	vld.idx.msk [tilespmem:v0+s28+$0x5800 ss:$0x1], $0xffff;
	v10 =	vmul.f32 v23, v14;
	v23 =	vadd.f32 v12, v62  }
0x16c: {  	v29 =	vld [tilespmem:$0x1FEC0];
	v24 =	vadd.f32 v42, v58  }
0x16d: {  	p1 =	sne.s32 s29, $0x1C00;
	v42 =	vadd.f32 v57, v23;
	v57 =	vadd.f32 v21, v22;
	v21 =	vld [tilespmem:$0x1FF00]  }
.Ltmp0:
0x16e: {  	v16 =	vmul.f32 v59, v14;
	v59 =	vadd.f32 v13, v19;
	v13 =	vld.idx.msk [tilespmem:v0+s28+$0x5020 ss:$0x1], $0xffff;
	(pc) =	sbr.rel @p1 .LBB2_3-.Ltmp0, $4  }
0x16f: {  	v19 =	vld.idx.msk [tilespmem:v0+s28+$0x5820 ss:$0x1], $0xffff  }
0x170: {  	v47 =	vmul.f32 v47, v3;
	v62 =	vld [tilespmem:$0x1FEE0]  }
0x171: {  	v9 =	vmul.f32 v27, v8;
	v12 =	vmul.f32 v30, v15;
	v30 =	vld [tilespmem:$0x1FED0]  }
0x172: {  	s29 =	sadd.s32 $0x400, s29;
	v11 =	vmul.f32 v25, v15;
	v44 =	vadd.f32 v5, v59;
	v5 =	vld.idx.msk [tilespmem:v0+s28+$0x5040 ss:$0x1], $0xffff;
	v58 =	vadd.f32 v21, v24  }
0x173: {  	_ = 	snop  }
0x174: {  	v22 =	vld [tilespmem:$0x1FF10]  }
0x175: {  	v23 =	vld [tilespmem:$0x1FF20]  }
0x176: {  	v24 =	vld [tilespmem:$0x1FF30]  }
0x177: {  	v25 =	vld.idx.msk [tilespmem:v0+s28+$0x5840 ss:$0x1], $0xffff  }
0x178: {  	v17 =	vmul.f32 v17, v20;
	v27 =	vld.idx.msk [tilespmem:v0+s28+$0x5060 ss:$0x1], $0xffff  }
0x179: {  	v21 =	vadd.f32 v51, v44;
	v51 =	vld.idx.msk [tilespmem:v0+s28+$0x6000 ss:$0x1], $0xffff  }
0x17a: {  	v17 =	vadd.f32 v17, v28;
	v28 =	vld.idx.msk [tilespmem:v0+s28+$0x78A0 ss:$0x1], $0xffff  }
0x17b: {  	v21 =	vadd.f32 v32, v21;
	v32 =	vld [tilespmem:$0x1FF40]  }
0x17c: {  	v2 =	vadd.f32 v50, v42;
	v59 =	vmul.f32 v43, v20;
	v26 =	vadd.f32 v41, v30;
	v30 =	vld.idx.msk [tilespmem:v0+s28+$0x70C0 ss:$0x1], $0xffff  }
0x17d: {  	v12 =	vadd.f32 v12, v17;
	v17 =	vld.idx.msk [tilespmem:v0+s28+$0x6820 ss:$0x1], $0xffff  }
0x17e: {  	v2 =	vadd.f32 v24, v2;
	v24 =	vadd.f32 v59, v34;
	v34 =	vld.idx.msk [tilespmem:v0+s28+$0x5860 ss:$0x1], $0xffff  }
0x17f: {  	v18 =	vmul.f32 v18, v20;
	v22 =	vadd.f32 v22, v57;
	v57 =	vld.idx.msk [tilespmem:v0+s28+$0x7800 ss:$0x1], $0xffff  }
0x180: {  	v23 =	vadd.f32 v23, v58;
	v58 =	vld [tilespmem:$0x1FFB0]  }
0x181: {  	v19 =	vmul.f32 v19, v15;
	v18 =	vadd.f32 v18, v29;
	v59 =	vld [tilespmem:$0x1FFC0]  }
0x182: {  	v11 =	vadd.f32 v11, v26;
	v10 =	vadd.f32 v10, v12;
	v12 =	vld.idx.msk [tilespmem:v0+s28+$0x6060 ss:$0x1], $0xffff  }
0x183: {  	v40 =	vadd.f32 v19, v18;
	v41 =	vmul.f32 v25, v14;
	v18 =	vmul.f32 v51, v20;
	v51 =	vld.idx.msk [tilespmem:v0+s28+$0x7060 ss:$0x1], $0xffff  }
0x184: {  	v13 =	vmul.f32 v13, v15;
	v11 =	vadd.f32 v16, v11;
	v16 =	vld.idx.msk [tilespmem:v0+s28+$0x6860 ss:$0x1], $0xffff  }
0x185: {  	v42 =	vadd.f32 v41, v40;
	v40 =	vld.idx.msk [tilespmem:v0+s28+$0x7820 ss:$0x1], $0xffff  }
0x186: {  	v5 =	vmul.f32 v5, v14;
	v13 =	vadd.f32 v13, v24;
	v41 =	vld [tilespmem:$0x1FF60]  }
0x187: {  	v9 =	vadd.f32 v9, v10;
	v10 =	vld.idx.msk [tilespmem:v0+s28+$0x6040 ss:$0x1], $0xffff  }
0x188: {  	v5 =	vadd.f32 v5, v13;
	v13 =	vld.idx.msk [tilespmem:v0+s28+$0x6020 ss:$0x1], $0xffff  }
0x189: {  	v6 =	vadd.f32 v6, v11;
	v9 =	vadd.f32 v54, v9;
	v54 =	vld.idx.msk [tilespmem:v0+s28+$0x7000 ss:$0x1], $0xffff  }
0x18a: {  	v43 =	vmul.f32 v27, v8;
	v44 =	vmul.f32 v34, v8;
	v34 =	vld [tilespmem:$0x1FF50]  }
0x18b: {  	v18 =	vadd.f32 v18, v45;
	v6 =	vadd.f32 v53, v6;
	v53 =	vld.idx.msk [tilespmem:v0+s28+$0x6800 ss:$0x1], $0xffff  }
0x18c: {  	v17 =	vmul.f32 v17, v15;
	v5 =	vadd.f32 v43, v5;
	v50 =	vadd.f32 v44, v42;
	v44 =	vld [tilespmem:$0x1FFF0]  }
0x18d: {  	v12 =	vmul.f32 v12, v8;
	v29 =	vmul.f32 v51, v8;
	v9 =	vadd.f32 v48, v9;
	v42 =	vld.idx.msk [tilespmem:v0+s28+$0x6840 ss:$0x1], $0xffff  }
0x18e: {  	v16 =	vmul.f32 v16, v8;
	v5 =	vadd.f32 v55, v5;
	v6 =	vadd.f32 v63, v6;
	v55 =	vld [tilespmem:$0x1FF90]  }
0x18f: {  	v48 =	vld.idx.msk [tilespmem:v0+s28+$0x7040 ss:$0x1], $0xffff;
	v10 =	vmul.f32 v10, v14;
	v11 =	vadd.f32 v56, v50;
	v13 =	vmul.f32 v13, v15  }
0x190: {  	v63 =	vld.idx.msk [tilespmem:v0+s28+$0x7020 ss:$0x1], $0xffff;
	v5 =	vadd.f32 v49, v5;
	v24 =	vmul.f32 v54, v20;
	v49 =	vmul.f32 v57, v20  }
0x191: {  	v56 =	vld [tilespmem:$0x1FFA0];
	v11 =	vadd.f32 v52, v11;
	v13 =	vadd.f32 v13, v18;
	(erf) = vrcp.f32 v44  }
0x192: {  	v50 =	vld.idx.msk [tilespmem:v0+s28+$0x7840 ss:$0x1], $0xffff;
	v19 =	vmul.f32 v53, v20;
	v5 =	vadd.f32 v58, v5;
	v24 =	vadd.f32 v24, v36  }
0x193: {  	v43 =	vld [tilespmem:$0x1FF70];
	v52 =	vmul.f32 v40, v15;
	v20 =	vadd.f32 v49, v35;
	v6 =	vadd.f32 v55, v6  }
0x194: {  	v54 =	vld.idx.msk [tilespmem:v0+s28+$0x7080 ss:$0x1], $0xffff;
	v58 =	vmul.f32 v48, v14;
	v11 =	vadd.f32 v59, v11;
	v19 =	vadd.f32 v19, v46  }
0x195: {  	v57 =	vld.idx.msk [tilespmem:v0+s28+$0x7880 ss:$0x1], $0xffff;
	v26 =	vmul.f32 v63, v15;
	v10 =	vadd.f32 v10, v13;
	v46 =	vmul.f32 v28, v4  }
0x196: {  	v53 =	vld.idx.msk [tilespmem:v0+s28+$0x7860 ss:$0x1], $0xffff;
	v9 =	vadd.f32 v56, v9;
	v5 =	vadd.f32 v41, v5;
	v56 =	vmul.f32 v42, v14  }
0x197: {  	v15 =	vadd.f32 v52, v20;
	v59 =	vmul.f32 v50, v14;
	v6 =	vadd.f32 v32, v6  }
0x198: {  	v63 =	vld.idx.msk [tilespmem:v0+s28+$0x70A0 ss:$0x1], $0xffff;
	v52 =	vmul.f32 v30, v3;
	v11 =	vadd.f32 v43, v11;
	v17 =	vadd.f32 v17, v19  }
0x199: {  	v49 =	vld [tilespmem:$0x1FFD0];
	v55 =	vadd.f32 v26, v24;
	v10 =	vadd.f32 v12, v10;
	v18 =	vmul.f32 v54, v7  }
0x19a: {  	v42 =	vld.idx.msk [tilespmem:v0+s28+$0x78E0 ss:$0x1], $0xffff;
	v41 =	vmul.f32 v57, v7;
	v9 =	vadd.f32 v34, v9;
	v14 =	vadd.f32 v59, v15;
	v35 =	vpop (erf)  }
0x19b: {  	v36 =	vld.idx.msk [tilespmem:v0+s28+$0x70E0 ss:$0x1], $0xffff;
	v32 =	vmul.f32 v53, v8;
	v17 =	vadd.f32 v56, v17;
	v40 =	vmul.f32 v35, v38  }
0x19c: {  	v34 =	vld.idx.msk [tilespmem:v0+s28+$0x78C0 ss:$0x1], $0xffff;
	v19 =	vadd.f32 v58, v55;
	v10 =	vadd.f32 v61, v10;
	v43 =	vmul.f32 v31, v35  }
0x19d: {  	v8 =	vadd.f32 v32, v14;
	v13 =	vmul.f32 v63, v4;
	v44 =	vmul.f32 v37, v35;
	[tilespmem:s26+$0x8800] =	vst v40  }
0x19e: {  	v50 =	vld [tilespmem:$0x1FFE0];
	v16 =	vadd.f32 v16, v17;
	v19 =	vadd.f32 v29, v19;
	v45 =	vmul.f32 v33, v35;
	[tilespmem:s26+$0x8820] =	vst v43  }
0x19f: {  	v10 =	vadd.f32 v49, v10;
	v0 =	vmul.f32 v42, v1;
	v48 =	vmul.f32 v22, v35;
	[tilespmem:s26+$0x8840] =	vst v44  }
0x1a0: {  	v7 =	vadd.f32 v41, v8;
	v16 =	vadd.f32 v60, v16;
	v51 =	vmul.f32 v23, v35;
	[tilespmem:s26+$0x8860] =	vst v45  }
0x1a1: {  	v18 =	vadd.f32 v18, v19;
	v53 =	vmul.f32 v34, v3;
	v2 =	vmul.f32 v2, v35;
	[tilespmem:s26+$0x8880] =	vst v48  }
0x1a2: {  	v61 =	vld [tilespmem:$0x1FF80];
	v10 =	vadd.f32 v39, v10;
	v4 =	vadd.f32 v46, v7;
	v54 =	vmul.f32 v21, v35;
	[tilespmem:s26+$0x88A0] =	vst v51  }
0x1a3: {  	v60 =	vmul.f32 v36, v1;
	v56 =	vmul.f32 v6, v35;
	v16 =	vadd.f32 v50, v16;
	[tilespmem:s26+$0x88C0] =	vst v2  }
0x1a4: {  	v58 =	vmul.f32 v9, v35;
	v13 =	vadd.f32 v13, v18;
	v3 =	vadd.f32 v53, v4;
	[tilespmem:s26+$0x88E0] =	vst v54  }
0x1a5: {  	v5 =	vmul.f32 v5, v35;
	v59 =	vadd.f32 v62, v10;
	[tilespmem:s26+$0x8900] =	vst v56;
	v55 =	vadd.f32 v47, v16  }
0x1a6: {  	v62 =	vmul.f32 v11, v35;
	[tilespmem:s26+$0x8920] =	vst v58;
	v57 =	vadd.f32 v52, v13;
	v0 =	vadd.f32 v0, v3  }
0x1a7: {  	[tilespmem:s26+$0x8940] =	vst v5;
	v63 =	vmul.f32 v59, v35;
	v1 =	vadd.f32 v61, v55  }
.Ltmp1:
0x1a8: {  	[tilespmem:s26+$0x8960] =	vst v62;
	v2 =	vadd.f32 v60, v57;
	v0 =	vmul.f32 v0, v35;
	(pc) =	sbr.rel @p0 .LBB2_2-.Ltmp1, $4  }
0x1a9: {  	[tilespmem:s26+$0x8980] =	vst v63;
	v1 =	vmul.f32 v1, v35  }
0x1aa: {  	v2 =	vmul.f32 v2, v35;
	[tilespmem:s26+$0x89E0] =	vst v0  }
0x1ab: {  	[tilespmem:s26+$0x89A0] =	vst v1  }
0x1ac: {  	p1 =	por $0x0, $0x0;
	[tilespmem:s26+$0x89C0] =	vst v2;
	s26 =	simm.s32 $0x10  }
0x1ad: {  	s25 =	sadd.s32 $0x1, s25  }
0x1ae: {  	p0 =	sne.s32 s25, s19  }
.Ltmp2:
0x1af: {  	_ = 	snop;
	(pc) =	sbr.rel @p0 .LBB2_1-.Ltmp2, $4  }
0x1b0: {  	[hbm4b:s16+s22] =	stream.strided.scatter [tilespmem:s2], [sflag:$0x3], $0x200, s0, s22, $0x38;
	[tilespmem:$0x8A00] =	vst v63  }
0x1b1: {  	_ =	swait.ge [sflag:s24], $0x200  }
0x1b2: {  	[sflag:s24] =	ssyncset.done $0x0  }
0x1b3: {  	[sflag:s24] =	ssyncadd.s32 $0xFFFFFE00  }
0x1b4: {  	_ =	sfence.sel $0x180000  }
0x1b5: {  	[bflag:$0x0] =	sbarrier.arrive $0xFFFF  }
0x1b6: {  	_ =	strace $0x90000047  }
0x1b7: {  	s0 =	stileid.u32;
	[bflag:$0x2] =	sbarrier.arrive $0xFFFF  }
0x1b8: {  	p0 =	sne.s32 s0, $0x0;
	s0 =	rddreg [dreg:$0x3]  }
0x1b9: {  	s0 =	sadd.s32 @!p0 $0x100000, s0  }
0x1ba: {  	[sflag:s0] =	ssyncadd.tile.s32 @!p0 $0x1;
	_ =	shalt  }
.Lfunc_end2:
_tile_overlayer_lowered:
.L_overlay_start_2:
0x1bb: {  	(tag) =	ssettag $0x2  }
0x1bc: {  	s0 =	rddreg [dreg:$0x0];
	s2 =	stileid.u32  }
0x1bd: {  	s1 =	rddreg [dreg:$0x1];
	p0 =	sne.s32 s2, $0x0  }
0x1be: {  	s3 =	rddreg [dreg:$0x2];
	[bflag:$0x3] =	sbarrier.arrive $0xFFFF;
	s2 =	simm.s32 @!p0 $0x1C04  }
0x1bf: {  	[timem:s3], [sflag:s2] =	dma.local @!p0 [hbm:s0], s1  }
0x1c0: {  	s0 =	simm.s32 @!p0 $0x4  }
0x1c1: {  	_ =	swait.ge @!p0 [sflag:s0], s1  }
0x1c2: {  	s1 =	ssub.s32 @!p0 $0x0, s1;
	[sflag:s0] =	ssyncset.done @!p0 $0x0  }
0x1c3: {  	[sflag:s0] =	ssyncadd.s32 @!p0 s1  }
0x1c4: {  	[bflag:$0x3] =	sbarrier.arrive $0xFFFF  }
0x1c5: {  	_ =	shalt  }

</sc_bundles>
